<compile_context>
chip_gen: v7x
topology: tpu7x:2x2x1
jax: 0.10.2.dev20260603
libtpu: 0.0.44.dev20260713+nightly
codegen_flags: <defaults>
</compile_context>

<pallas_src>
import jax
import jax.numpy as jnp
from jax import lax
from jax.experimental import pallas as pl
from jax.experimental.pallas import tpu as pltpu
from jax.experimental.pallas import tpu_sc as plsc

ACTION_SIZE = 1000
BATCH = 16384
LOC_LEN = 5
DIM = 16
NC = 2
NS = 16
NW = NC * NS
BPW = BATCH // NW
GCHUNK = 128
NBLK = BPW // GCHUNK


def _sc_body(loc_hbm, wt_hbm, bias_hbm, out_hbm, idx_v, acc_v, out_v,
             bias_v, wt_sp, sems):
    sid = lax.axis_index("s")
    wid = sid * NC + lax.axis_index("c")
    base = wid * BPW

    @pl.when(sid == 0)
    def _stage_wt():
        pltpu.sync_copy(wt_hbm, wt_sp)

    cb = pltpu.async_copy(bias_hbm, bias_v, sems.at[0])
    ci = pltpu.async_copy(loc_hbm.at[:, pl.ds(base, BPW)], idx_v,
                          sems.at[1])
    cb.wait()
    ci.wait()

    @plsc.parallel_loop(BPW // DIM, LOC_LEN * (BPW // DIM), 1, unroll=4)
    def _off_body(c):
        j = c // (BPW // DIM)
        s = (c % (BPW // DIM)) * DIM
        idx_v[j, pl.ds(s, DIM)] = idx_v[j, pl.ds(s, DIM)] + j * ACTION_SIZE

    bias_vec = bias_v[...]

    @plsc.parallel_loop(0, BPW, 1, unroll=8)
    def _fill_body(i):
        acc_v[i] = bias_vec

    plsc.subcore_barrier()
    for b in range(NBLK):
        def _g_body(j, _, b=b):
            pltpu.async_copy(
                wt_sp.at[idx_v.at[j, pl.ds(b * GCHUNK, GCHUNK)]],
                acc_v.at[pl.ds(b * GCHUNK, GCHUNK), :],
                sems.at[b], add=True)
            return 0

        lax.fori_loop(0, LOC_LEN, _g_body, 0)

    kvec = lax.iota(jnp.int32, DIM)
    base_vec = (kvec // 8) * (NBLK * 8 * GCHUNK) + lax.rem(kvec, 8) * GCHUNK

    for b in range(NBLK):
        def _d_body(j, _, b=b):
            pltpu.make_async_copy(wt_hbm.at[pl.ds(0, GCHUNK), :],
                                  acc_v.at[pl.ds(0, GCHUNK), :],
                                  sems.at[b]).wait()
            return 0

        lax.fori_loop(0, LOC_LEN, _d_body, 0)

        @plsc.parallel_loop(b * GCHUNK, (b + 1) * GCHUNK, 1, unroll=8,
                            carry=base_vec + b * (8 * GCHUNK) - b * GCHUNK)
        def _sum_body(i, colv):
            acc = jnp.maximum(acc_v[i], 0.0)
            plsc.store_scatter(out_v, [colv + i], acc)
            return colv

    half = NBLK * 8 * GCHUNK
    pltpu.sync_copy(out_v.at[pl.ds(0, half)],
                    out_hbm.at[pl.ds(wid * half, half)])
    pltpu.sync_copy(out_v.at[pl.ds(half, half)],
                    out_hbm.at[pl.ds(NW * half + wid * half, half)])


@jax.jit
def _position_encode(loc_t, wt, bias):
    mesh = plsc.VectorSubcoreMesh(core_axis_name="c", subcore_axis_name="s")
    kern = pl.kernel(
        _sc_body,
        out_type=jax.ShapeDtypeStruct((BATCH * DIM,), jnp.float32),
        mesh=mesh,
        scratch_types=[
            pltpu.VMEM((LOC_LEN, BPW), jnp.int32),
            pltpu.VMEM((BPW, DIM), jnp.float32),
            pltpu.VMEM((BPW * DIM,), jnp.float32),
            pltpu.VMEM((DIM,), jnp.float32),
            pltpu.VMEM_SHARED((LOC_LEN * ACTION_SIZE, DIM), jnp.float32),
            pltpu.SemaphoreType.DMA((NBLK,)),
        ],
        compiler_params=pltpu.CompilerParams(use_tc_tiling_on_sc=False,
                                             needs_layout_passes=False),
    )
    o = kern(loc_t, wt, bias)
    o = o.reshape(2, BATCH // 128, 8, 128).transpose(0, 2, 1, 3)
    return o.reshape(DIM, BATCH).T


def kernel(loc, W, bias):
    loc = loc.astype(jnp.int32)
    loc_t = loc.T
    wt = W.T.reshape(LOC_LEN * ACTION_SIZE, DIM)
    return _position_encode(loc_t, wt, bias)

# --- scband reference (transcript-rebuilt; emitter-appended) ---
"""Pipeline reference for scband-position-encode-27779848471294 (READ-ONLY COPY).

The authoritative reference and input builder live on the scoring server;
editing this copy changes nothing except your own understanding.
"""

import jax, jax.numpy as jnp
import numpy as np

ACTION_SIZE = 1000
BATCH = 16384
LOC_LEN = 5

def setup_inputs(seed: int = 0) -> dict:
    key = jax.random.key(seed)
    k1, k2, k3 = jax.random.split(key, 3)
    loc = jax.random.randint(k1, (BATCH, LOC_LEN), 0, ACTION_SIZE, dtype=jnp.int64 if jax.config.jax_enable_x64 else jnp.int32)
    fan_in = LOC_LEN * ACTION_SIZE
    bound = 1.0 / np.sqrt(fan_in)
    W = jax.random.uniform(k2, (16, fan_in), minval=-bound, maxval=bound, dtype=jnp.float32)
    bias = jax.random.uniform(k3, (16,), minval=-bound, maxval=bound, dtype=jnp.float32)
    return {"loc": loc, "W": W, "bias": bias}

def reference(loc, W, bias):
    loc = loc.astype(jnp.int32)
    b, L = loc.shape
    # scatter-overwrite: one_hot[i, j, loc[i, j]] = 1
    one_hot = jnp.zeros((b, L, ACTION_SIZE), dtype=jnp.float32)
    bi = jnp.arange(b)[:, None]
    li = jnp.arange(L)[None, :]
    one_hot = one_hot.at[bi, li, loc].set(1.0)
    flat = one_hot.reshape(b, L * ACTION_SIZE)
    out = flat @ W.T + bias
    out = jax.nn.relu(out)
    return out

if __name__ == "__main__":
    import jax
    _d = setup_inputs()
    print(jax.jit(kernel)(*tuple(_d.values())))

</pallas_src>

<mosaic_0001>
#map = affine_map<(d0, d1) -> (0, 0)>
#map1 = affine_map<(d0, d1) -> (0)>
module attributes {stable_mosaic.version = 14 : i64} {
  func.func @_sc_body(%arg0: i32, %arg1: i32, %arg2: memref<5x16384xi32, #tpu.memory_space<hbm>>, %arg3: memref<5000x16xf32, #tpu.memory_space<hbm>>, %arg4: memref<16xf32, #tpu.memory_space<hbm>>, %arg5: memref<262144xf32, #tpu.memory_space<hbm>>, %arg6: memref<5x512xi32, #tpu.memory_space<vmem>>, %arg7: memref<512x16xf32, #tpu.memory_space<vmem>>, %arg8: memref<8192xf32, #tpu.memory_space<vmem>>, %arg9: memref<16xf32, #tpu.memory_space<vmem>>, %arg10: memref<5000x16xf32, #tpu.memory_space<vmem_shared>>, %arg11: memref<4x!tpu.dma_semaphore, #tpu.memory_space<semaphore_mem>>) attributes {dimension_semantics = [#tpu.dimension_semantics<core_parallel>, #tpu.dimension_semantics<subcore_parallel>], iteration_bounds = array<i64: 2, 16>, scalar_prefetch = 0 : i64, scratch_operands = 6 : i64, tpu.core_type = #tpu.core_type<sc_vector_subcore>, window_params = [{transform_indices = #map}, {transform_indices = #map}, {transform_indices = #map1}, {transform_indices = #map1}]} {
    %mul3A = arith.constant 2 : i32
    %mul3A_0 = arith.muli %arg1, %mul3A : i32
    %add3A = arith.addi %mul3A_0, %arg0 : i32
    %mul3A_1 = arith.constant 512 : i32
    %mul3A_2 = arith.muli %add3A, %mul3A_1 : i32
    %eq3A = arith.constant 0 : i32
    %eq3A_3 = arith.cmpi eq, %arg1, %eq3A : i32
    %convert_element_type3A = arith.extui %eq3A_3 : i1 to i32
    %cond3A = arith.constant 0 : i32
    %cond3A_4 = arith.cmpi ne, %convert_element_type3A, %cond3A : i32
    scf.if %cond3A_4 {
      "tpu.region"() ({
        %run_scoped3A = tpu.sem_alloc : memref<!tpu.dma_semaphore, #tpu.memory_space<semaphore_mem>>
        tpu.enqueue_dma source(%arg3 : memref<5000x16xf32, #tpu.memory_space<hbm>>) target(%arg10 : memref<5000x16xf32, #tpu.memory_space<vmem_shared>>) target_semaphore(%run_scoped3A : memref<!tpu.dma_semaphore, #tpu.memory_space<semaphore_mem>>)
        tpu.wait_dma2 semaphore(%run_scoped3A : memref<!tpu.dma_semaphore, #tpu.memory_space<semaphore_mem>>) src(%arg3 : memref<5000x16xf32, #tpu.memory_space<hbm>>) dst(%arg10 : memref<5000x16xf32, #tpu.memory_space<vmem_shared>>)
        tpu.yield
      }) : () -> ()
    } else {
    }
    %dma_start3A = arith.constant 0 : i32
    %dma_start3A_5 = tpu.memref_slice %arg11[%dma_start3A] : memref<4x!tpu.dma_semaphore, #tpu.memory_space<semaphore_mem>> -> memref<1x!tpu.dma_semaphore, #tpu.memory_space<semaphore_mem>>
    %dma_start3A_6 = tpu.memref_squeeze %dma_start3A_5 : memref<1x!tpu.dma_semaphore, #tpu.memory_space<semaphore_mem>> -> memref<!tpu.dma_semaphore, #tpu.memory_space<semaphore_mem>>
    tpu.enqueue_dma source(%arg4 : memref<16xf32, #tpu.memory_space<hbm>>) target(%arg9 : memref<16xf32, #tpu.memory_space<vmem>>) target_semaphore(%dma_start3A_6 : memref<!tpu.dma_semaphore, #tpu.memory_space<semaphore_mem>>)
    %dma_start3A_7 = arith.constant 1 : i32
    %dma_start3A_8 = arith.constant 0 : i32
    %dma_start3A_9 = tpu.memref_slice %arg2[%dma_start3A_8, %mul3A_2] : memref<5x16384xi32, #tpu.memory_space<hbm>> -> memref<5x512xi32, #tpu.memory_space<hbm>>
    %dma_start3A_10 = tpu.memref_slice %arg11[%dma_start3A_7] : memref<4x!tpu.dma_semaphore, #tpu.memory_space<semaphore_mem>> -> memref<1x!tpu.dma_semaphore, #tpu.memory_space<semaphore_mem>>
    %dma_start3A_11 = tpu.memref_squeeze %dma_start3A_10 : memref<1x!tpu.dma_semaphore, #tpu.memory_space<semaphore_mem>> -> memref<!tpu.dma_semaphore, #tpu.memory_space<semaphore_mem>>
    %dma_start3A_12 = arith.constant 0 : i32
    %dma_start3A_13 = tpu.memref_slice %arg2[%dma_start3A_12, %mul3A_2] : memref<5x16384xi32, #tpu.memory_space<hbm>> -> memref<5x512xi32, #tpu.memory_space<hbm>>
    tpu.enqueue_dma source(%dma_start3A_13 : memref<5x512xi32, #tpu.memory_space<hbm>>) target(%arg6 : memref<5x512xi32, #tpu.memory_space<vmem>>) target_semaphore(%dma_start3A_11 : memref<!tpu.dma_semaphore, #tpu.memory_space<semaphore_mem>>)
    %dma_wait3A = arith.constant 0 : i32
    %dma_wait3A_14 = tpu.memref_slice %arg11[%dma_wait3A] : memref<4x!tpu.dma_semaphore, #tpu.memory_space<semaphore_mem>> -> memref<1x!tpu.dma_semaphore, #tpu.memory_space<semaphore_mem>>
    %dma_wait3A_15 = tpu.memref_squeeze %dma_wait3A_14 : memref<1x!tpu.dma_semaphore, #tpu.memory_space<semaphore_mem>> -> memref<!tpu.dma_semaphore, #tpu.memory_space<semaphore_mem>>
    tpu.wait_dma2 semaphore(%dma_wait3A_15 : memref<!tpu.dma_semaphore, #tpu.memory_space<semaphore_mem>>) src(%arg4 : memref<16xf32, #tpu.memory_space<hbm>>) dst(%arg9 : memref<16xf32, #tpu.memory_space<vmem>>)
    %dma_wait3A_16 = arith.constant 1 : i32
    %dma_wait3A_17 = arith.constant 0 : i32
    %dma_wait3A_18 = tpu.memref_slice %arg2[%dma_wait3A_17, %mul3A_2] : memref<5x16384xi32, #tpu.memory_space<hbm>> -> memref<5x512xi32, #tpu.memory_space<hbm>>
    %dma_wait3A_19 = tpu.memref_slice %arg11[%dma_wait3A_16] : memref<4x!tpu.dma_semaphore, #tpu.memory_space<semaphore_mem>> -> memref<1x!tpu.dma_semaphore, #tpu.memory_space<semaphore_mem>>
    %dma_wait3A_20 = tpu.memref_squeeze %dma_wait3A_19 : memref<1x!tpu.dma_semaphore, #tpu.memory_space<semaphore_mem>> -> memref<!tpu.dma_semaphore, #tpu.memory_space<semaphore_mem>>
    %dma_wait3A_21 = arith.constant 0 : i32
    %dma_wait3A_22 = tpu.memref_slice %arg2[%dma_wait3A_21, %mul3A_2] : memref<5x16384xi32, #tpu.memory_space<hbm>> -> memref<5x512xi32, #tpu.memory_space<hbm>>
    tpu.wait_dma2 semaphore(%dma_wait3A_20 : memref<!tpu.dma_semaphore, #tpu.memory_space<semaphore_mem>>) src(%dma_wait3A_22 : memref<5x512xi32, #tpu.memory_space<hbm>>) dst(%arg6 : memref<5x512xi32, #tpu.memory_space<vmem>>)
    %parallel_loop3A = arith.constant 32 : i32
    %parallel_loop3A_23 = arith.constant 160 : i32
    %parallel_loop3A_24 = arith.constant 1 : i32
    scf.for %parallel_loop3A_163 = %parallel_loop3A to %parallel_loop3A_23 step %parallel_loop3A_24  : i32 {
      %parallel_loop3A_164 = arith.constant 32 : i32
      %parallel_loop3A_165 = arith.divsi %parallel_loop3A_163, %parallel_loop3A_164 : i32
      %parallel_loop3A_166 = arith.constant 0 : i32
      %parallel_loop3A_167 = arith.cmpi sgt, %parallel_loop3A_163, %parallel_loop3A_166 : i32
      %parallel_loop3A_168 = arith.extui %parallel_loop3A_167 : i1 to i32
      %parallel_loop3A_169 = arith.constant 0 : i32
      %parallel_loop3A_170 = arith.cmpi slt, %parallel_loop3A_163, %parallel_loop3A_169 : i32
      %parallel_loop3A_171 = arith.extui %parallel_loop3A_170 : i1 to i32
      %parallel_loop3A_172 = arith.subi %parallel_loop3A_168, %parallel_loop3A_171 : i32
      %parallel_loop3A_173 = arith.constant 0 : i32
      %parallel_loop3A_174 = arith.cmpi sgt, %parallel_loop3A_164, %parallel_loop3A_173 : i32
      %parallel_loop3A_175 = arith.extui %parallel_loop3A_174 : i1 to i32
      %parallel_loop3A_176 = arith.constant 0 : i32
      %parallel_loop3A_177 = arith.cmpi slt, %parallel_loop3A_164, %parallel_loop3A_176 : i32
      %parallel_loop3A_178 = arith.extui %parallel_loop3A_177 : i1 to i32
      %parallel_loop3A_179 = arith.subi %parallel_loop3A_175, %parallel_loop3A_178 : i32
      %parallel_loop3A_180 = arith.cmpi ne, %parallel_loop3A_172, %parallel_loop3A_179 : i32
      %parallel_loop3A_181 = arith.remsi %parallel_loop3A_163, %parallel_loop3A_164 : i32
      %parallel_loop3A_182 = arith.constant 0 : i32
      %parallel_loop3A_183 = arith.cmpi ne, %parallel_loop3A_181, %parallel_loop3A_182 : i32
      %parallel_loop3A_184 = arith.andi %parallel_loop3A_180, %parallel_loop3A_183 : i1
      %parallel_loop3A_185 = arith.constant 1 : i32
      %parallel_loop3A_186 = arith.subi %parallel_loop3A_165, %parallel_loop3A_185 : i32
      %parallel_loop3A_187 = arith.select %parallel_loop3A_184, %parallel_loop3A_186, %parallel_loop3A_165 : i32
      %parallel_loop3A_188 = arith.constant 32 : i32
      %parallel_loop3A_189 = arith.constant 0 : i32
      %parallel_loop3A_190 = arith.cmpi eq, %parallel_loop3A_188, %parallel_loop3A_189 : i32
      %parallel_loop3A_191 = arith.constant 1 : i32
      %parallel_loop3A_192 = arith.select %parallel_loop3A_190, %parallel_loop3A_191, %parallel_loop3A_188 : i32
      %parallel_loop3A_193 = arith.remsi %parallel_loop3A_163, %parallel_loop3A_192 : i32
      %parallel_loop3A_194 = arith.constant 0 : i32
      %parallel_loop3A_195 = arith.cmpi ne, %parallel_loop3A_193, %parallel_loop3A_194 : i32
      %parallel_loop3A_196 = arith.constant 0 : i32
      %parallel_loop3A_197 = arith.cmpi slt, %parallel_loop3A_193, %parallel_loop3A_196 : i32
      %parallel_loop3A_198 = arith.constant 0 : i32
      %parallel_loop3A_199 = arith.cmpi slt, %parallel_loop3A_192, %parallel_loop3A_198 : i32
      %parallel_loop3A_200 = arith.xori %parallel_loop3A_197, %parallel_loop3A_199 : i1
      %parallel_loop3A_201 = arith.andi %parallel_loop3A_200, %parallel_loop3A_195 : i1
      %parallel_loop3A_202 = arith.addi %parallel_loop3A_193, %parallel_loop3A_192 : i32
      %parallel_loop3A_203 = arith.select %parallel_loop3A_201, %parallel_loop3A_202, %parallel_loop3A_193 : i32
      %parallel_loop3A_204 = arith.constant 16 : i32
      %parallel_loop3A_205 = arith.muli %parallel_loop3A_203, %parallel_loop3A_204 : i32
      %parallel_loop3A_206 = arith.index_cast %parallel_loop3A_187 : i32 to index
      %parallel_loop3A_207 = arith.index_cast %parallel_loop3A_205 : i32 to index
      %parallel_loop3A_208 = tpu.vector_load %arg6[%parallel_loop3A_206, %parallel_loop3A_207] {strides = array<i32>} : memref<5x512xi32, #tpu.memory_space<vmem>>, vector<16xi32>,
      %parallel_loop3A_209 = arith.constant 1000 : i32
      %parallel_loop3A_210 = arith.muli %parallel_loop3A_187, %parallel_loop3A_209 : i32
      %parallel_loop3A_211 = vector.broadcast %parallel_loop3A_210 : i32 to vector<16xi32>
      %parallel_loop3A_212 = arith.addi %parallel_loop3A_208, %parallel_loop3A_211 : vector<16xi32>
      %parallel_loop3A_213 = arith.index_cast %parallel_loop3A_187 : i32 to index
      %parallel_loop3A_214 = arith.index_cast %parallel_loop3A_205 : i32 to index
      %parallel_loop3A_215 = tpu.vector_load %arg6[%parallel_loop3A_213, %parallel_loop3A_214] {strides = array<i32>} : memref<5x512xi32, #tpu.memory_space<vmem>>, vector<16xi32>,
      tpu.vector_store %arg6[%parallel_loop3A_213, %parallel_loop3A_214], %parallel_loop3A_212 {strides = array<i32>} : memref<5x512xi32, #tpu.memory_space<vmem>>, vector<16xi32>,
    } {sc.loop_unroll_factor = 4 : i64, sc.parallel_access}
    %get3A = arith.constant 0 : index
    %get3A_25 = tpu.vector_load %arg9[%get3A] {strides = array<i32>} : memref<16xf32, #tpu.memory_space<vmem>>, vector<16xf32>,
    %parallel_loop3A_26 = arith.constant 0 : i32
    %parallel_loop3A_27 = arith.constant 512 : i32
    %parallel_loop3A_28 = arith.constant 1 : i32
    scf.for %parallel_loop3A_163 = %parallel_loop3A_26 to %parallel_loop3A_27 step %parallel_loop3A_28  : i32 {
      %parallel_loop3A_164 = arith.index_cast %parallel_loop3A_163 : i32 to index
      %parallel_loop3A_165 = arith.constant 0 : index
      %parallel_loop3A_166 = tpu.vector_load %arg7[%parallel_loop3A_164, %parallel_loop3A_165] {strides = array<i32>} : memref<512x16xf32, #tpu.memory_space<vmem>>, vector<16xf32>,
      tpu.vector_store %arg7[%parallel_loop3A_164, %parallel_loop3A_165], %get3A_25 {strides = array<i32>} : memref<512x16xf32, #tpu.memory_space<vmem>>, vector<16xf32>,
    } {sc.loop_unroll_factor = 8 : i64, sc.parallel_access}
    %barrier3A = arith.constant 0 : index
    tpu.barrier barrier_id(%barrier3A)
    %scan3A = arith.constant 0 : i32
    %scan3A_29 = arith.constant 0 : i32
    %scan3A_30 = arith.constant 5 : i32
    %scan3A_31 = arith.addi %scan3A_29, %scan3A_30 : i32
    %scan3A_32 = arith.constant 1 : i32
    %scan3A_33 = scf.for %scan3A_163 = %scan3A_29 to %scan3A_31 step %scan3A_32 iter_args(%scan3A_164 = %scan3A) -> (i32)  : i32 {
      %dma_start3A_165 = arith.constant 0 : i32
      %dma_start3A_166 = arith.constant 0 : i32
      %dma_start3A_167 = arith.constant 0 : i32
      %dma_start3A_168 = tpu.memref_slice %arg7[%dma_start3A_166, %dma_start3A_167] : memref<512x16xf32, #tpu.memory_space<vmem>> -> memref<128x16xf32, #tpu.memory_space<vmem>>
      %dma_start3A_169 = arith.constant 0 : i32
      %dma_start3A_170 = tpu.memref_slice %arg6[%scan3A_163, %dma_start3A_169] : memref<5x512xi32, #tpu.memory_space<vmem>> -> memref<1x128xi32, #tpu.memory_space<vmem>>
      %dma_start3A_171 = tpu.memref_squeeze %dma_start3A_170 : memref<1x128xi32, #tpu.memory_space<vmem>> -> memref<128xi32, #tpu.memory_space<vmem>>
      %dma_start3A_172 = arith.constant 0 : i32
      %dma_start3A_173 = arith.constant 0 : i32
      %dma_start3A_174 = tpu.memref_slice %arg10[%dma_start3A_172, %dma_start3A_173] : memref<5000x16xf32, #tpu.memory_space<vmem_shared>> -> memref<5000x16xf32, #tpu.memory_space<vmem_shared>>
      %dma_start3A_175 = tpu.memref_slice %arg11[%dma_start3A_165] : memref<4x!tpu.dma_semaphore, #tpu.memory_space<semaphore_mem>> -> memref<1x!tpu.dma_semaphore, #tpu.memory_space<semaphore_mem>>
      %dma_start3A_176 = tpu.memref_squeeze %dma_start3A_175 : memref<1x!tpu.dma_semaphore, #tpu.memory_space<semaphore_mem>> -> memref<!tpu.dma_semaphore, #tpu.memory_space<semaphore_mem>>
      tpu.enqueue_indirect_dma source(%dma_start3A_174 : memref<5000x16xf32, #tpu.memory_space<vmem_shared>>) target(%dma_start3A_168 : memref<128x16xf32, #tpu.memory_space<vmem>>) offsets(%dma_start3A_171 : memref<128xi32, #tpu.memory_space<vmem>>) semaphore(%dma_start3A_176 : memref<!tpu.dma_semaphore, #tpu.memory_space<semaphore_mem>>) {add = true}
      %scan3A_177 = arith.constant 0 : i32
      scf.yield %scan3A_177 : i32
    }
    %scan3A_34 = arith.constant 5 : i32
    %scan3A_35 = arith.constant 0 : i32
    %scan3A_36 = arith.constant 0 : i32
    %scan3A_37 = arith.constant 5 : i32
    %scan3A_38 = arith.addi %scan3A_36, %scan3A_37 : i32
    %scan3A_39 = arith.constant 1 : i32
    %scan3A_40 = scf.for %scan3A_163 = %scan3A_36 to %scan3A_38 step %scan3A_39 iter_args(%scan3A_164 = %scan3A_35) -> (i32)  : i32 {
      %dma_start3A_165 = arith.constant 1 : i32
      %dma_start3A_166 = arith.constant 128 : i32
      %dma_start3A_167 = arith.constant 0 : i32
      %dma_start3A_168 = tpu.memref_slice %arg7[%dma_start3A_166, %dma_start3A_167] : memref<512x16xf32, #tpu.memory_space<vmem>> -> memref<128x16xf32, #tpu.memory_space<vmem>>
      %dma_start3A_169 = arith.constant 128 : i32
      %dma_start3A_170 = tpu.memref_slice %arg6[%scan3A_163, %dma_start3A_169] : memref<5x512xi32, #tpu.memory_space<vmem>> -> memref<1x128xi32, #tpu.memory_space<vmem>>
      %dma_start3A_171 = tpu.memref_squeeze %dma_start3A_170 : memref<1x128xi32, #tpu.memory_space<vmem>> -> memref<128xi32, #tpu.memory_space<vmem>>
      %dma_start3A_172 = arith.constant 0 : i32
      %dma_start3A_173 = arith.constant 0 : i32
      %dma_start3A_174 = tpu.memref_slice %arg10[%dma_start3A_172, %dma_start3A_173] : memref<5000x16xf32, #tpu.memory_space<vmem_shared>> -> memref<5000x16xf32, #tpu.memory_space<vmem_shared>>
      %dma_start3A_175 = tpu.memref_slice %arg11[%dma_start3A_165] : memref<4x!tpu.dma_semaphore, #tpu.memory_space<semaphore_mem>> -> memref<1x!tpu.dma_semaphore, #tpu.memory_space<semaphore_mem>>
      %dma_start3A_176 = tpu.memref_squeeze %dma_start3A_175 : memref<1x!tpu.dma_semaphore, #tpu.memory_space<semaphore_mem>> -> memref<!tpu.dma_semaphore, #tpu.memory_space<semaphore_mem>>
      tpu.enqueue_indirect_dma source(%dma_start3A_174 : memref<5000x16xf32, #tpu.memory_space<vmem_shared>>) target(%dma_start3A_168 : memref<128x16xf32, #tpu.memory_space<vmem>>) offsets(%dma_start3A_171 : memref<128xi32, #tpu.memory_space<vmem>>) semaphore(%dma_start3A_176 : memref<!tpu.dma_semaphore, #tpu.memory_space<semaphore_mem>>) {add = true}
      %scan3A_177 = arith.constant 0 : i32
      scf.yield %scan3A_177 : i32
    }
    %scan3A_41 = arith.constant 5 : i32
    %scan3A_42 = arith.constant 0 : i32
    %scan3A_43 = arith.constant 0 : i32
    %scan3A_44 = arith.constant 5 : i32
    %scan3A_45 = arith.addi %scan3A_43, %scan3A_44 : i32
    %scan3A_46 = arith.constant 1 : i32
    %scan3A_47 = scf.for %scan3A_163 = %scan3A_43 to %scan3A_45 step %scan3A_46 iter_args(%scan3A_164 = %scan3A_42) -> (i32)  : i32 {
      %dma_start3A_165 = arith.constant 2 : i32
      %dma_start3A_166 = arith.constant 256 : i32
      %dma_start3A_167 = arith.constant 0 : i32
      %dma_start3A_168 = tpu.memref_slice %arg7[%dma_start3A_166, %dma_start3A_167] : memref<512x16xf32, #tpu.memory_space<vmem>> -> memref<128x16xf32, #tpu.memory_space<vmem>>
      %dma_start3A_169 = arith.constant 256 : i32
      %dma_start3A_170 = tpu.memref_slice %arg6[%scan3A_163, %dma_start3A_169] : memref<5x512xi32, #tpu.memory_space<vmem>> -> memref<1x128xi32, #tpu.memory_space<vmem>>
      %dma_start3A_171 = tpu.memref_squeeze %dma_start3A_170 : memref<1x128xi32, #tpu.memory_space<vmem>> -> memref<128xi32, #tpu.memory_space<vmem>>
      %dma_start3A_172 = arith.constant 0 : i32
      %dma_start3A_173 = arith.constant 0 : i32
      %dma_start3A_174 = tpu.memref_slice %arg10[%dma_start3A_172, %dma_start3A_173] : memref<5000x16xf32, #tpu.memory_space<vmem_shared>> -> memref<5000x16xf32, #tpu.memory_space<vmem_shared>>
      %dma_start3A_175 = tpu.memref_slice %arg11[%dma_start3A_165] : memref<4x!tpu.dma_semaphore, #tpu.memory_space<semaphore_mem>> -> memref<1x!tpu.dma_semaphore, #tpu.memory_space<semaphore_mem>>
      %dma_start3A_176 = tpu.memref_squeeze %dma_start3A_175 : memref<1x!tpu.dma_semaphore, #tpu.memory_space<semaphore_mem>> -> memref<!tpu.dma_semaphore, #tpu.memory_space<semaphore_mem>>
      tpu.enqueue_indirect_dma source(%dma_start3A_174 : memref<5000x16xf32, #tpu.memory_space<vmem_shared>>) target(%dma_start3A_168 : memref<128x16xf32, #tpu.memory_space<vmem>>) offsets(%dma_start3A_171 : memref<128xi32, #tpu.memory_space<vmem>>) semaphore(%dma_start3A_176 : memref<!tpu.dma_semaphore, #tpu.memory_space<semaphore_mem>>) {add = true}
      %scan3A_177 = arith.constant 0 : i32
      scf.yield %scan3A_177 : i32
    }
    %scan3A_48 = arith.constant 5 : i32
    %scan3A_49 = arith.constant 0 : i32
    %scan3A_50 = arith.constant 0 : i32
    %scan3A_51 = arith.constant 5 : i32
    %scan3A_52 = arith.addi %scan3A_50, %scan3A_51 : i32
    %scan3A_53 = arith.constant 1 : i32
    %scan3A_54 = scf.for %scan3A_163 = %scan3A_50 to %scan3A_52 step %scan3A_53 iter_args(%scan3A_164 = %scan3A_49) -> (i32)  : i32 {
      %dma_start3A_165 = arith.constant 3 : i32
      %dma_start3A_166 = arith.constant 384 : i32
      %dma_start3A_167 = arith.constant 0 : i32
      %dma_start3A_168 = tpu.memref_slice %arg7[%dma_start3A_166, %dma_start3A_167] : memref<512x16xf32, #tpu.memory_space<vmem>> -> memref<128x16xf32, #tpu.memory_space<vmem>>
      %dma_start3A_169 = arith.constant 384 : i32
      %dma_start3A_170 = tpu.memref_slice %arg6[%scan3A_163, %dma_start3A_169] : memref<5x512xi32, #tpu.memory_space<vmem>> -> memref<1x128xi32, #tpu.memory_space<vmem>>
      %dma_start3A_171 = tpu.memref_squeeze %dma_start3A_170 : memref<1x128xi32, #tpu.memory_space<vmem>> -> memref<128xi32, #tpu.memory_space<vmem>>
      %dma_start3A_172 = arith.constant 0 : i32
      %dma_start3A_173 = arith.constant 0 : i32
      %dma_start3A_174 = tpu.memref_slice %arg10[%dma_start3A_172, %dma_start3A_173] : memref<5000x16xf32, #tpu.memory_space<vmem_shared>> -> memref<5000x16xf32, #tpu.memory_space<vmem_shared>>
      %dma_start3A_175 = tpu.memref_slice %arg11[%dma_start3A_165] : memref<4x!tpu.dma_semaphore, #tpu.memory_space<semaphore_mem>> -> memref<1x!tpu.dma_semaphore, #tpu.memory_space<semaphore_mem>>
      %dma_start3A_176 = tpu.memref_squeeze %dma_start3A_175 : memref<1x!tpu.dma_semaphore, #tpu.memory_space<semaphore_mem>> -> memref<!tpu.dma_semaphore, #tpu.memory_space<semaphore_mem>>
      tpu.enqueue_indirect_dma source(%dma_start3A_174 : memref<5000x16xf32, #tpu.memory_space<vmem_shared>>) target(%dma_start3A_168 : memref<128x16xf32, #tpu.memory_space<vmem>>) offsets(%dma_start3A_171 : memref<128xi32, #tpu.memory_space<vmem>>) semaphore(%dma_start3A_176 : memref<!tpu.dma_semaphore, #tpu.memory_space<semaphore_mem>>) {add = true}
      %scan3A_177 = arith.constant 0 : i32
      scf.yield %scan3A_177 : i32
    }
    %scan3A_55 = arith.constant 5 : i32
    %iota3A = tpu.iota {dimensions = array<i32: 0>} : vector<16xi32>
    %jit3A = arith.constant 8 : i32
    %div3A = vector.broadcast %jit3A : i32 to vector<16xi32>
    %div3A_56 = arith.divsi %iota3A, %div3A : vector<16xi32>
    %sign3A = arith.constant 0 : i32
    %sign3A_57 = vector.broadcast %sign3A : i32 to vector<16xi32>
    %sign3A_58 = arith.cmpi sgt, %iota3A, %sign3A_57 : vector<16xi32>
    %sign3A_59 = arith.extui %sign3A_58 : vector<16xi1> to vector<16xi32>
    %sign3A_60 = arith.constant 0 : i32
    %sign3A_61 = vector.broadcast %sign3A_60 : i32 to vector<16xi32>
    %sign3A_62 = arith.cmpi slt, %iota3A, %sign3A_61 : vector<16xi32>
    %sign3A_63 = arith.extui %sign3A_62 : vector<16xi1> to vector<16xi32>
    %sign3A_64 = arith.subi %sign3A_59, %sign3A_63 : vector<16xi32>
    %sign3A_65 = arith.constant 0 : i32
    %sign3A_66 = arith.cmpi sgt, %jit3A, %sign3A_65 : i32
    %sign3A_67 = arith.extui %sign3A_66 : i1 to i32
    %sign3A_68 = arith.constant 0 : i32
    %sign3A_69 = arith.cmpi slt, %jit3A, %sign3A_68 : i32
    %sign3A_70 = arith.extui %sign3A_69 : i1 to i32
    %sign3A_71 = arith.subi %sign3A_67, %sign3A_70 : i32
    %ne3A = vector.broadcast %sign3A_71 : i32 to vector<16xi32>
    %ne3A_72 = arith.cmpi ne, %sign3A_64, %ne3A : vector<16xi32>
    %rem3A = vector.broadcast %jit3A : i32 to vector<16xi32>
    %rem3A_73 = arith.remsi %iota3A, %rem3A : vector<16xi32>
    %ne3A_74 = arith.constant 0 : i32
    %ne3A_75 = vector.broadcast %ne3A_74 : i32 to vector<16xi32>
    %ne3A_76 = arith.cmpi ne, %rem3A_73, %ne3A_75 : vector<16xi32>
    %and3A = arith.andi %ne3A_72, %ne3A_76 : vector<16xi1>
    %sub3A = arith.constant 1 : i32
    %sub3A_77 = vector.broadcast %sub3A : i32 to vector<16xi32>
    %sub3A_78 = arith.subi %div3A_56, %sub3A_77 : vector<16xi32>
    %select_n3A = arith.select %and3A, %sub3A_78, %div3A_56 : vector<16xi1>, vector<16xi32>
    %mul3A_79 = arith.constant 4096 : i32
    %mul3A_80 = vector.broadcast %mul3A_79 : i32 to vector<16xi32>
    %mul3A_81 = arith.muli %select_n3A, %mul3A_80 : vector<16xi32>
    %rem3A_82 = arith.constant 8 : i32
    %rem3A_83 = vector.broadcast %rem3A_82 : i32 to vector<16xi32>
    %rem3A_84 = arith.remsi %iota3A, %rem3A_83 : vector<16xi32>
    %mul3A_85 = arith.constant 128 : i32
    %mul3A_86 = vector.broadcast %mul3A_85 : i32 to vector<16xi32>
    %mul3A_87 = arith.muli %rem3A_84, %mul3A_86 : vector<16xi32>
    %add3A_88 = arith.addi %mul3A_81, %mul3A_87 : vector<16xi32>
    %scan3A_89 = arith.constant 0 : i32
    %scan3A_90 = arith.constant 0 : i32
    %scan3A_91 = arith.constant 5 : i32
    %scan3A_92 = arith.addi %scan3A_90, %scan3A_91 : i32
    %scan3A_93 = arith.constant 1 : i32
    %scan3A_94 = scf.for %scan3A_163 = %scan3A_90 to %scan3A_92 step %scan3A_93 iter_args(%scan3A_164 = %scan3A_89) -> (i32)  : i32 {
      %dma_wait3A_165 = arith.constant 0 : i32
      %dma_wait3A_166 = arith.constant 0 : i32
      %dma_wait3A_167 = arith.constant 0 : i32
      %dma_wait3A_168 = tpu.memref_slice %arg7[%dma_wait3A_166, %dma_wait3A_167] : memref<512x16xf32, #tpu.memory_space<vmem>> -> memref<128x16xf32, #tpu.memory_space<vmem>>
      %dma_wait3A_169 = arith.constant 0 : i32
      %dma_wait3A_170 = arith.constant 0 : i32
      %dma_wait3A_171 = tpu.memref_slice %arg3[%dma_wait3A_169, %dma_wait3A_170] : memref<5000x16xf32, #tpu.memory_space<hbm>> -> memref<128x16xf32, #tpu.memory_space<hbm>>
      %dma_wait3A_172 = tpu.memref_slice %arg11[%dma_wait3A_165] : memref<4x!tpu.dma_semaphore, #tpu.memory_space<semaphore_mem>> -> memref<1x!tpu.dma_semaphore, #tpu.memory_space<semaphore_mem>>
      %dma_wait3A_173 = tpu.memref_squeeze %dma_wait3A_172 : memref<1x!tpu.dma_semaphore, #tpu.memory_space<semaphore_mem>> -> memref<!tpu.dma_semaphore, #tpu.memory_space<semaphore_mem>>
      %dma_wait3A_174 = arith.constant 0 : i32
      %dma_wait3A_175 = arith.constant 0 : i32
      %dma_wait3A_176 = tpu.memref_slice %arg7[%dma_wait3A_174, %dma_wait3A_175] : memref<512x16xf32, #tpu.memory_space<vmem>> -> memref<128x16xf32, #tpu.memory_space<vmem>>
      %dma_wait3A_177 = arith.constant 0 : i32
      %dma_wait3A_178 = arith.constant 0 : i32
      %dma_wait3A_179 = tpu.memref_slice %arg3[%dma_wait3A_177, %dma_wait3A_178] : memref<5000x16xf32, #tpu.memory_space<hbm>> -> memref<128x16xf32, #tpu.memory_space<hbm>>
      tpu.wait_dma2 semaphore(%dma_wait3A_173 : memref<!tpu.dma_semaphore, #tpu.memory_space<semaphore_mem>>) src(%dma_wait3A_179 : memref<128x16xf32, #tpu.memory_space<hbm>>) dst(%dma_wait3A_176 : memref<128x16xf32, #tpu.memory_space<vmem>>)
      %scan3A_180 = arith.constant 0 : i32
      scf.yield %scan3A_180 : i32
    }
    %scan3A_95 = arith.constant 5 : i32
    %add3A_96 = arith.constant 0 : i32
    %add3A_97 = vector.broadcast %add3A_96 : i32 to vector<16xi32>
    %add3A_98 = arith.addi %add3A_88, %add3A_97 : vector<16xi32>
    %sub3A_99 = arith.constant 0 : i32
    %sub3A_100 = vector.broadcast %sub3A_99 : i32 to vector<16xi32>
    %sub3A_101 = arith.subi %add3A_98, %sub3A_100 : vector<16xi32>
    %parallel_loop3A_102 = arith.constant 0 : i32
    %parallel_loop3A_103 = arith.constant 128 : i32
    %parallel_loop3A_104 = arith.constant 1 : i32
    %parallel_loop3A_105 = scf.for %parallel_loop3A_163 = %parallel_loop3A_102 to %parallel_loop3A_103 step %parallel_loop3A_104 iter_args(%parallel_loop3A_164 = %sub3A_101) -> (vector<16xi32>)  : i32 {
      %parallel_loop3A_165 = arith.index_cast %parallel_loop3A_163 : i32 to index
      %parallel_loop3A_166 = arith.constant 0 : index
      %parallel_loop3A_167 = tpu.vector_load %arg7[%parallel_loop3A_165, %parallel_loop3A_166] {strides = array<i32>} : memref<512x16xf32, #tpu.memory_space<vmem>>, vector<16xf32>,
      %parallel_loop3A_168 = arith.constant 0.000000e+00 : f32
      %parallel_loop3A_169 = vector.broadcast %parallel_loop3A_168 : f32 to vector<16xf32>
      %parallel_loop3A_170 = arith.maximumf %parallel_loop3A_167, %parallel_loop3A_169 : vector<16xf32>
      %parallel_loop3A_171 = vector.broadcast %parallel_loop3A_163 : i32 to vector<16xi32>
      %parallel_loop3A_172 = arith.addi %parallel_loop3A_164, %parallel_loop3A_171 : vector<16xi32>
      tpu.vector_store_idx %arg8[%parallel_loop3A_172], %parallel_loop3A_170 : memref<8192xf32, #tpu.memory_space<vmem>>[vector<16xi32>], vector<16xf32>,
      scf.yield %parallel_loop3A_164 : vector<16xi32>
    } {sc.loop_unroll_factor = 8 : i64, sc.parallel_access}
    %scan3A_106 = arith.constant 0 : i32
    %scan3A_107 = arith.constant 0 : i32
    %scan3A_108 = arith.constant 5 : i32
    %scan3A_109 = arith.addi %scan3A_107, %scan3A_108 : i32
    %scan3A_110 = arith.constant 1 : i32
    %scan3A_111 = scf.for %scan3A_163 = %scan3A_107 to %scan3A_109 step %scan3A_110 iter_args(%scan3A_164 = %scan3A_106) -> (i32)  : i32 {
      %dma_wait3A_165 = arith.constant 1 : i32
      %dma_wait3A_166 = arith.constant 0 : i32
      %dma_wait3A_167 = arith.constant 0 : i32
      %dma_wait3A_168 = tpu.memref_slice %arg7[%dma_wait3A_166, %dma_wait3A_167] : memref<512x16xf32, #tpu.memory_space<vmem>> -> memref<128x16xf32, #tpu.memory_space<vmem>>
      %dma_wait3A_169 = arith.constant 0 : i32
      %dma_wait3A_170 = arith.constant 0 : i32
      %dma_wait3A_171 = tpu.memref_slice %arg3[%dma_wait3A_169, %dma_wait3A_170] : memref<5000x16xf32, #tpu.memory_space<hbm>> -> memref<128x16xf32, #tpu.memory_space<hbm>>
      %dma_wait3A_172 = tpu.memref_slice %arg11[%dma_wait3A_165] : memref<4x!tpu.dma_semaphore, #tpu.memory_space<semaphore_mem>> -> memref<1x!tpu.dma_semaphore, #tpu.memory_space<semaphore_mem>>
      %dma_wait3A_173 = tpu.memref_squeeze %dma_wait3A_172 : memref<1x!tpu.dma_semaphore, #tpu.memory_space<semaphore_mem>> -> memref<!tpu.dma_semaphore, #tpu.memory_space<semaphore_mem>>
      %dma_wait3A_174 = arith.constant 0 : i32
      %dma_wait3A_175 = arith.constant 0 : i32
      %dma_wait3A_176 = tpu.memref_slice %arg7[%dma_wait3A_174, %dma_wait3A_175] : memref<512x16xf32, #tpu.memory_space<vmem>> -> memref<128x16xf32, #tpu.memory_space<vmem>>
      %dma_wait3A_177 = arith.constant 0 : i32
      %dma_wait3A_178 = arith.constant 0 : i32
      %dma_wait3A_179 = tpu.memref_slice %arg3[%dma_wait3A_177, %dma_wait3A_178] : memref<5000x16xf32, #tpu.memory_space<hbm>> -> memref<128x16xf32, #tpu.memory_space<hbm>>
      tpu.wait_dma2 semaphore(%dma_wait3A_173 : memref<!tpu.dma_semaphore, #tpu.memory_space<semaphore_mem>>) src(%dma_wait3A_179 : memref<128x16xf32, #tpu.memory_space<hbm>>) dst(%dma_wait3A_176 : memref<128x16xf32, #tpu.memory_space<vmem>>)
      %scan3A_180 = arith.constant 0 : i32
      scf.yield %scan3A_180 : i32
    }
    %scan3A_112 = arith.constant 5 : i32
    %add3A_113 = arith.constant 1024 : i32
    %add3A_114 = vector.broadcast %add3A_113 : i32 to vector<16xi32>
    %add3A_115 = arith.addi %add3A_88, %add3A_114 : vector<16xi32>
    %sub3A_116 = arith.constant 128 : i32
    %sub3A_117 = vector.broadcast %sub3A_116 : i32 to vector<16xi32>
    %sub3A_118 = arith.subi %add3A_115, %sub3A_117 : vector<16xi32>
    %parallel_loop3A_119 = arith.constant 128 : i32
    %parallel_loop3A_120 = arith.constant 256 : i32
    %parallel_loop3A_121 = arith.constant 1 : i32
    %parallel_loop3A_122 = scf.for %parallel_loop3A_163 = %parallel_loop3A_119 to %parallel_loop3A_120 step %parallel_loop3A_121 iter_args(%parallel_loop3A_164 = %sub3A_118) -> (vector<16xi32>)  : i32 {
      %parallel_loop3A_165 = arith.index_cast %parallel_loop3A_163 : i32 to index
      %parallel_loop3A_166 = arith.constant 0 : index
      %parallel_loop3A_167 = tpu.vector_load %arg7[%parallel_loop3A_165, %parallel_loop3A_166] {strides = array<i32>} : memref<512x16xf32, #tpu.memory_space<vmem>>, vector<16xf32>,
      %parallel_loop3A_168 = arith.constant 0.000000e+00 : f32
      %parallel_loop3A_169 = vector.broadcast %parallel_loop3A_168 : f32 to vector<16xf32>
      %parallel_loop3A_170 = arith.maximumf %parallel_loop3A_167, %parallel_loop3A_169 : vector<16xf32>
      %parallel_loop3A_171 = vector.broadcast %parallel_loop3A_163 : i32 to vector<16xi32>
      %parallel_loop3A_172 = arith.addi %parallel_loop3A_164, %parallel_loop3A_171 : vector<16xi32>
      tpu.vector_store_idx %arg8[%parallel_loop3A_172], %parallel_loop3A_170 : memref<8192xf32, #tpu.memory_space<vmem>>[vector<16xi32>], vector<16xf32>,
      scf.yield %parallel_loop3A_164 : vector<16xi32>
    } {sc.loop_unroll_factor = 8 : i64, sc.parallel_access}
    %scan3A_123 = arith.constant 0 : i32
    %scan3A_124 = arith.constant 0 : i32
    %scan3A_125 = arith.constant 5 : i32
    %scan3A_126 = arith.addi %scan3A_124, %scan3A_125 : i32
    %scan3A_127 = arith.constant 1 : i32
    %scan3A_128 = scf.for %scan3A_163 = %scan3A_124 to %scan3A_126 step %scan3A_127 iter_args(%scan3A_164 = %scan3A_123) -> (i32)  : i32 {
      %dma_wait3A_165 = arith.constant 2 : i32
      %dma_wait3A_166 = arith.constant 0 : i32
      %dma_wait3A_167 = arith.constant 0 : i32
      %dma_wait3A_168 = tpu.memref_slice %arg7[%dma_wait3A_166, %dma_wait3A_167] : memref<512x16xf32, #tpu.memory_space<vmem>> -> memref<128x16xf32, #tpu.memory_space<vmem>>
      %dma_wait3A_169 = arith.constant 0 : i32
      %dma_wait3A_170 = arith.constant 0 : i32
      %dma_wait3A_171 = tpu.memref_slice %arg3[%dma_wait3A_169, %dma_wait3A_170] : memref<5000x16xf32, #tpu.memory_space<hbm>> -> memref<128x16xf32, #tpu.memory_space<hbm>>
      %dma_wait3A_172 = tpu.memref_slice %arg11[%dma_wait3A_165] : memref<4x!tpu.dma_semaphore, #tpu.memory_space<semaphore_mem>> -> memref<1x!tpu.dma_semaphore, #tpu.memory_space<semaphore_mem>>
      %dma_wait3A_173 = tpu.memref_squeeze %dma_wait3A_172 : memref<1x!tpu.dma_semaphore, #tpu.memory_space<semaphore_mem>> -> memref<!tpu.dma_semaphore, #tpu.memory_space<semaphore_mem>>
      %dma_wait3A_174 = arith.constant 0 : i32
      %dma_wait3A_175 = arith.constant 0 : i32
      %dma_wait3A_176 = tpu.memref_slice %arg7[%dma_wait3A_174, %dma_wait3A_175] : memref<512x16xf32, #tpu.memory_space<vmem>> -> memref<128x16xf32, #tpu.memory_space<vmem>>
      %dma_wait3A_177 = arith.constant 0 : i32
      %dma_wait3A_178 = arith.constant 0 : i32
      %dma_wait3A_179 = tpu.memref_slice %arg3[%dma_wait3A_177, %dma_wait3A_178] : memref<5000x16xf32, #tpu.memory_space<hbm>> -> memref<128x16xf32, #tpu.memory_space<hbm>>
      tpu.wait_dma2 semaphore(%dma_wait3A_173 : memref<!tpu.dma_semaphore, #tpu.memory_space<semaphore_mem>>) src(%dma_wait3A_179 : memref<128x16xf32, #tpu.memory_space<hbm>>) dst(%dma_wait3A_176 : memref<128x16xf32, #tpu.memory_space<vmem>>)
      %scan3A_180 = arith.constant 0 : i32
      scf.yield %scan3A_180 : i32
    }
    %scan3A_129 = arith.constant 5 : i32
    %add3A_130 = arith.constant 2048 : i32
    %add3A_131 = vector.broadcast %add3A_130 : i32 to vector<16xi32>
    %add3A_132 = arith.addi %add3A_88, %add3A_131 : vector<16xi32>
    %sub3A_133 = arith.constant 256 : i32
    %sub3A_134 = vector.broadcast %sub3A_133 : i32 to vector<16xi32>
    %sub3A_135 = arith.subi %add3A_132, %sub3A_134 : vector<16xi32>
    %parallel_loop3A_136 = arith.constant 256 : i32
    %parallel_loop3A_137 = arith.constant 384 : i32
    %parallel_loop3A_138 = arith.constant 1 : i32
    %parallel_loop3A_139 = scf.for %parallel_loop3A_163 = %parallel_loop3A_136 to %parallel_loop3A_137 step %parallel_loop3A_138 iter_args(%parallel_loop3A_164 = %sub3A_135) -> (vector<16xi32>)  : i32 {
      %parallel_loop3A_165 = arith.index_cast %parallel_loop3A_163 : i32 to index
      %parallel_loop3A_166 = arith.constant 0 : index
      %parallel_loop3A_167 = tpu.vector_load %arg7[%parallel_loop3A_165, %parallel_loop3A_166] {strides = array<i32>} : memref<512x16xf32, #tpu.memory_space<vmem>>, vector<16xf32>,
      %parallel_loop3A_168 = arith.constant 0.000000e+00 : f32
      %parallel_loop3A_169 = vector.broadcast %parallel_loop3A_168 : f32 to vector<16xf32>
      %parallel_loop3A_170 = arith.maximumf %parallel_loop3A_167, %parallel_loop3A_169 : vector<16xf32>
      %parallel_loop3A_171 = vector.broadcast %parallel_loop3A_163 : i32 to vector<16xi32>
      %parallel_loop3A_172 = arith.addi %parallel_loop3A_164, %parallel_loop3A_171 : vector<16xi32>
      tpu.vector_store_idx %arg8[%parallel_loop3A_172], %parallel_loop3A_170 : memref<8192xf32, #tpu.memory_space<vmem>>[vector<16xi32>], vector<16xf32>,
      scf.yield %parallel_loop3A_164 : vector<16xi32>
    } {sc.loop_unroll_factor = 8 : i64, sc.parallel_access}
    %scan3A_140 = arith.constant 0 : i32
    %scan3A_141 = arith.constant 0 : i32
    %scan3A_142 = arith.constant 5 : i32
    %scan3A_143 = arith.addi %scan3A_141, %scan3A_142 : i32
    %scan3A_144 = arith.constant 1 : i32
    %scan3A_145 = scf.for %scan3A_163 = %scan3A_141 to %scan3A_143 step %scan3A_144 iter_args(%scan3A_164 = %scan3A_140) -> (i32)  : i32 {
      %dma_wait3A_165 = arith.constant 3 : i32
      %dma_wait3A_166 = arith.constant 0 : i32
      %dma_wait3A_167 = arith.constant 0 : i32
      %dma_wait3A_168 = tpu.memref_slice %arg7[%dma_wait3A_166, %dma_wait3A_167] : memref<512x16xf32, #tpu.memory_space<vmem>> -> memref<128x16xf32, #tpu.memory_space<vmem>>
      %dma_wait3A_169 = arith.constant 0 : i32
      %dma_wait3A_170 = arith.constant 0 : i32
      %dma_wait3A_171 = tpu.memref_slice %arg3[%dma_wait3A_169, %dma_wait3A_170] : memref<5000x16xf32, #tpu.memory_space<hbm>> -> memref<128x16xf32, #tpu.memory_space<hbm>>
      %dma_wait3A_172 = tpu.memref_slice %arg11[%dma_wait3A_165] : memref<4x!tpu.dma_semaphore, #tpu.memory_space<semaphore_mem>> -> memref<1x!tpu.dma_semaphore, #tpu.memory_space<semaphore_mem>>
      %dma_wait3A_173 = tpu.memref_squeeze %dma_wait3A_172 : memref<1x!tpu.dma_semaphore, #tpu.memory_space<semaphore_mem>> -> memref<!tpu.dma_semaphore, #tpu.memory_space<semaphore_mem>>
      %dma_wait3A_174 = arith.constant 0 : i32
      %dma_wait3A_175 = arith.constant 0 : i32
      %dma_wait3A_176 = tpu.memref_slice %arg7[%dma_wait3A_174, %dma_wait3A_175] : memref<512x16xf32, #tpu.memory_space<vmem>> -> memref<128x16xf32, #tpu.memory_space<vmem>>
      %dma_wait3A_177 = arith.constant 0 : i32
      %dma_wait3A_178 = arith.constant 0 : i32
      %dma_wait3A_179 = tpu.memref_slice %arg3[%dma_wait3A_177, %dma_wait3A_178] : memref<5000x16xf32, #tpu.memory_space<hbm>> -> memref<128x16xf32, #tpu.memory_space<hbm>>
      tpu.wait_dma2 semaphore(%dma_wait3A_173 : memref<!tpu.dma_semaphore, #tpu.memory_space<semaphore_mem>>) src(%dma_wait3A_179 : memref<128x16xf32, #tpu.memory_space<hbm>>) dst(%dma_wait3A_176 : memref<128x16xf32, #tpu.memory_space<vmem>>)
      %scan3A_180 = arith.constant 0 : i32
      scf.yield %scan3A_180 : i32
    }
    %scan3A_146 = arith.constant 5 : i32
    %add3A_147 = arith.constant 3072 : i32
    %add3A_148 = vector.broadcast %add3A_147 : i32 to vector<16xi32>
    %add3A_149 = arith.addi %add3A_88, %add3A_148 : vector<16xi32>
    %sub3A_150 = arith.constant 384 : i32
    %sub3A_151 = vector.broadcast %sub3A_150 : i32 to vector<16xi32>
    %sub3A_152 = arith.subi %add3A_149, %sub3A_151 : vector<16xi32>
    %parallel_loop3A_153 = arith.constant 384 : i32
    %parallel_loop3A_154 = arith.constant 512 : i32
    %parallel_loop3A_155 = arith.constant 1 : i32
    %parallel_loop3A_156 = scf.for %parallel_loop3A_163 = %parallel_loop3A_153 to %parallel_loop3A_154 step %parallel_loop3A_155 iter_args(%parallel_loop3A_164 = %sub3A_152) -> (vector<16xi32>)  : i32 {
      %parallel_loop3A_165 = arith.index_cast %parallel_loop3A_163 : i32 to index
      %parallel_loop3A_166 = arith.constant 0 : index
      %parallel_loop3A_167 = tpu.vector_load %arg7[%parallel_loop3A_165, %parallel_loop3A_166] {strides = array<i32>} : memref<512x16xf32, #tpu.memory_space<vmem>>, vector<16xf32>,
      %parallel_loop3A_168 = arith.constant 0.000000e+00 : f32
      %parallel_loop3A_169 = vector.broadcast %parallel_loop3A_168 : f32 to vector<16xf32>
      %parallel_loop3A_170 = arith.maximumf %parallel_loop3A_167, %parallel_loop3A_169 : vector<16xf32>
      %parallel_loop3A_171 = vector.broadcast %parallel_loop3A_163 : i32 to vector<16xi32>
      %parallel_loop3A_172 = arith.addi %parallel_loop3A_164, %parallel_loop3A_171 : vector<16xi32>
      tpu.vector_store_idx %arg8[%parallel_loop3A_172], %parallel_loop3A_170 : memref<8192xf32, #tpu.memory_space<vmem>>[vector<16xi32>], vector<16xf32>,
      scf.yield %parallel_loop3A_164 : vector<16xi32>
    } {sc.loop_unroll_factor = 8 : i64, sc.parallel_access}
    %mul3A_157 = arith.constant 4096 : i32
    %mul3A_158 = arith.muli %add3A, %mul3A_157 : i32
    "tpu.region"() ({
      %run_scoped3A = tpu.sem_alloc : memref<!tpu.dma_semaphore, #tpu.memory_space<semaphore_mem>>
      %dma_start3A_163 = arith.constant 0 : i32
      %dma_start3A_164 = tpu.memref_slice %arg8[%dma_start3A_163] : memref<8192xf32, #tpu.memory_space<vmem>> -> memref<4096xf32, #tpu.memory_space<vmem>>
      %dma_start3A_165 = tpu.memref_slice %arg5[%mul3A_158] : memref<262144xf32, #tpu.memory_space<hbm>> -> memref<4096xf32, #tpu.memory_space<hbm>>
      %dma_start3A_166 = tpu.memref_slice %arg5[%mul3A_158] : memref<262144xf32, #tpu.memory_space<hbm>> -> memref<4096xf32, #tpu.memory_space<hbm>>
      %dma_start3A_167 = arith.constant 0 : i32
      %dma_start3A_168 = tpu.memref_slice %arg8[%dma_start3A_167] : memref<8192xf32, #tpu.memory_space<vmem>> -> memref<4096xf32, #tpu.memory_space<vmem>>
      tpu.enqueue_dma source(%dma_start3A_168 : memref<4096xf32, #tpu.memory_space<vmem>>) target(%dma_start3A_166 : memref<4096xf32, #tpu.memory_space<hbm>>) target_semaphore(%run_scoped3A : memref<!tpu.dma_semaphore, #tpu.memory_space<semaphore_mem>>)
      %dma_wait3A_169 = arith.constant 0 : i32
      %dma_wait3A_170 = tpu.memref_slice %arg8[%dma_wait3A_169] : memref<8192xf32, #tpu.memory_space<vmem>> -> memref<4096xf32, #tpu.memory_space<vmem>>
      %dma_wait3A_171 = tpu.memref_slice %arg5[%mul3A_158] : memref<262144xf32, #tpu.memory_space<hbm>> -> memref<4096xf32, #tpu.memory_space<hbm>>
      %dma_wait3A_172 = tpu.memref_slice %arg5[%mul3A_158] : memref<262144xf32, #tpu.memory_space<hbm>> -> memref<4096xf32, #tpu.memory_space<hbm>>
      %dma_wait3A_173 = arith.constant 0 : i32
      %dma_wait3A_174 = tpu.memref_slice %arg8[%dma_wait3A_173] : memref<8192xf32, #tpu.memory_space<vmem>> -> memref<4096xf32, #tpu.memory_space<vmem>>
      tpu.wait_dma2 semaphore(%run_scoped3A : memref<!tpu.dma_semaphore, #tpu.memory_space<semaphore_mem>>) src(%dma_wait3A_174 : memref<4096xf32, #tpu.memory_space<vmem>>) dst(%dma_wait3A_172 : memref<4096xf32, #tpu.memory_space<hbm>>)
      tpu.yield
    }) : () -> ()
    %mul3A_159 = arith.constant 4096 : i32
    %mul3A_160 = arith.muli %add3A, %mul3A_159 : i32
    %add3A_161 = arith.constant 131072 : i32
    %add3A_162 = arith.addi %add3A_161, %mul3A_160 : i32
    "tpu.region"() ({
      %run_scoped3A = tpu.sem_alloc : memref<!tpu.dma_semaphore, #tpu.memory_space<semaphore_mem>>
      %dma_start3A_163 = arith.constant 4096 : i32
      %dma_start3A_164 = tpu.memref_slice %arg8[%dma_start3A_163] : memref<8192xf32, #tpu.memory_space<vmem>> -> memref<4096xf32, #tpu.memory_space<vmem>>
      %dma_start3A_165 = tpu.memref_slice %arg5[%add3A_162] : memref<262144xf32, #tpu.memory_space<hbm>> -> memref<4096xf32, #tpu.memory_space<hbm>>
      %dma_start3A_166 = tpu.memref_slice %arg5[%add3A_162] : memref<262144xf32, #tpu.memory_space<hbm>> -> memref<4096xf32, #tpu.memory_space<hbm>>
      %dma_start3A_167 = arith.constant 4096 : i32
      %dma_start3A_168 = tpu.memref_slice %arg8[%dma_start3A_167] : memref<8192xf32, #tpu.memory_space<vmem>> -> memref<4096xf32, #tpu.memory_space<vmem>>
      tpu.enqueue_dma source(%dma_start3A_168 : memref<4096xf32, #tpu.memory_space<vmem>>) target(%dma_start3A_166 : memref<4096xf32, #tpu.memory_space<hbm>>) target_semaphore(%run_scoped3A : memref<!tpu.dma_semaphore, #tpu.memory_space<semaphore_mem>>)
      %dma_wait3A_169 = arith.constant 4096 : i32
      %dma_wait3A_170 = tpu.memref_slice %arg8[%dma_wait3A_169] : memref<8192xf32, #tpu.memory_space<vmem>> -> memref<4096xf32, #tpu.memory_space<vmem>>
      %dma_wait3A_171 = tpu.memref_slice %arg5[%add3A_162] : memref<262144xf32, #tpu.memory_space<hbm>> -> memref<4096xf32, #tpu.memory_space<hbm>>
      %dma_wait3A_172 = tpu.memref_slice %arg5[%add3A_162] : memref<262144xf32, #tpu.memory_space<hbm>> -> memref<4096xf32, #tpu.memory_space<hbm>>
      %dma_wait3A_173 = arith.constant 4096 : i32
      %dma_wait3A_174 = tpu.memref_slice %arg8[%dma_wait3A_173] : memref<8192xf32, #tpu.memory_space<vmem>> -> memref<4096xf32, #tpu.memory_space<vmem>>
      tpu.wait_dma2 semaphore(%run_scoped3A : memref<!tpu.dma_semaphore, #tpu.memory_space<semaphore_mem>>) src(%dma_wait3A_174 : memref<4096xf32, #tpu.memory_space<vmem>>) dst(%dma_wait3A_172 : memref<4096xf32, #tpu.memory_space<hbm>>)
      tpu.yield
    }) : () -> ()
    return
  }
}

</mosaic_0001>

<sc_bundles>
// kernel: _position_encode.3.cloned.1.call-start
scs
__scs_entry_jumppad:
0x0: {  	(pc) =	sbr.rel $0x88, $3  }
0x1: {  	(tag) =	ssettag $0x0;
	lr =	simm.s32 $0x1  }
0x2: {  	[smem:$0x3F9E] =	sst lr;
	_ =	strace $0xD0000000  }
0x3: {  	_ = 	snop  }
0x4: {  	_ = 	snop  }
0x5: {  	_ = 	snop  }
0x6: {  	_ = 	snop  }
0x7: {  	_ = 	snop  }
__scs_overlays_trampoline_lowered:
0x8: {  	[smem:$0x3FAD] =	sst s0  }
0x9: {  	[smem:$0x3FAE] =	sst s1  }
0xa: {  	[smem:$0x3FAF] =	sst s2  }
0xb: {  	[smem:$0x3FB0] =	sst s3  }
0xc: {  	[smem:$0x3FB1] =	sst s4  }
0xd: {  	[smem:$0x3FB2] =	sst s5  }
0xe: {  	[smem:$0x3FB3] =	sst s6  }
0xf: {  	[smem:$0x3FB4] =	sst s7  }
0x10: {  	[smem:$0x3FB5] =	sst s8  }
0x11: {  	[smem:$0x3FB6] =	sst s9;
	s0 =	simm.s32 @!p0 $0x0  }
0x12: {  	s1 =	sld [smem:$0x3F9C];
	s0 =	simm.s32 @p0 $0x1  }
0x13: {  	[smem:$0x3FB7] =	sst s0;
	s0 =	simm.s32 @!p1 $0x0  }
0x14: {  	s2 =	sld [smem:$0x3F9B];
	s0 =	simm.s32 @p1 $0x1  }
0x15: {  	[smem:$0x3FB8] =	sst s0;
	s0 =	simm.s32 @!p2 $0x0  }
0x16: {  	s3 =	sld [smem:$0x3FDB];
	s0 =	simm.s32 @p2 $0x1  }
0x17: {  	s4 =	simm.s32 $0x1BF5;
	[smem:$0x3FBA] =	sst s0  }
0x18: {  	s0 =	sld [smem:$0x3F9D];
	_ =	swait.ge [sflag:s4], $0x0  }
0x19: {  	s7 =	sld [smem:$0x3F9E]  }
0x1a: {  	s8 =	sadd.s32 $0xFFFFE003, lr  }
0x1b: {  	s9 =	sadd.s32 $0xFFFFFEF7, lr;
	s5 =	simm.s32 $0xFFFFFFFF;
	p2 =	slt.u32 s8, $0xFFFFF086  }
0x1c: {  	p1 =	slt.u32 s9, $0xF7A;
	s5 =	simm.s32 @!p2 $0x0  }
0x1d: {  	s5 =	simm.s32 @p1 $0x1;
	p0 =	seq.s32 s7, s2  }
0x1e: {  	s7 =	smul.u32 @!p0 $0xF7A, s2;
	p2 =	seq.s32 @!p0 s5, $0x0  }
0x1f: {  	s9 =	smul.u32 $0xF7A, s1;
	s8 =	simm.s32 @!p0 $0x1BF5;
	p2 =	por !p2, p0  }
0x20: {  	[sflag:s8] =	ssyncset.s32 @!p0 $0xFFFFF086;
	s6 =	sadd.s32 @!p0 s3, s7;
	s7 =	simm.s32 @!p0 $0x108  }
0x21: {  	s3 =	sadd.s32 s3, s9;
	s6 =	sadd.s32 @!p0 $0x88, s6;
	s7 =	simm.s32 @p2 $0x1082  }
0x22: {  	[simem:s7], [sflag:s8] =	dma.local @!p0 [hbm:s6], $0xF7A  }
0x23: {  	s9 =	sor.u32 $0xD0000000, s2;
	s6 =	simm.s32 $0x108;
	_ =	swait.ge @!p0 [sflag:s8], $0x0  }
0x24: {  	s3 =	sadd.s32 $0x88, s3;
	s6 =	simm.s32 @!p1 $0x1082;
	[sflag:s4] =	ssyncset.s32 $0xFFFFF086  }
0x25: {  	[simem:s6], [sflag:s4] =	dma.local [hbm:s3], $0xF7A  }
0x26: {  	[smem:$0x3F9E] =	sst s1;
	(tag) =	ssettag s2;
	_ =	strace s9  }
0x27: {  	s1 =	sld [smem:$0x3FAE]  }
0x28: {  	s2 =	sld [smem:$0x3FAF]  }
0x29: {  	s4 =	sld [smem:$0x3FB1]  }
0x2a: {  	p0 =	seq.s32 s5, $0x0;
	s5 =	sld [smem:$0x3FB2]  }
0x2b: {  	s6 =	sld [smem:$0x3FB3]  }
0x2c: {  	s7 =	sld [smem:$0x3FB4]  }
0x2d: {  	s3 =	simm.s32 $0x108;
	s8 =	sld [smem:$0x3FB5]  }
0x2e: {  	s3 =	simm.s32 @!p0 $0x1082;
	s9 =	sld [smem:$0x3FB6]  }
0x2f: {  	lr =	sadd.s32 s0, s3;
	s0 =	sld [smem:$0x3FAD]  }
0x30: {  	s3 =	sld [smem:$0x3FB0]  }
0x31: {  	[smem:$0x3FB9] =	sst s10  }
0x32: {  	s10 =	sld [smem:$0x3FB7];
	_ =	sdelay $0x3  }
0x33: {  	p0 =	seq.s32 s10, $0x1;
	s10 =	sld [smem:$0x3FB9];
	_ =	sdelay $0x3  }
0x34: {  	[smem:$0x3FB9] =	sst s10  }
0x35: {  	s10 =	sld [smem:$0x3FB8];
	_ =	sdelay $0x3  }
0x36: {  	p1 =	seq.s32 s10, $0x1;
	s10 =	sld [smem:$0x3FB9];
	_ =	sdelay $0x3  }
0x37: {  	[smem:$0x3FB9] =	sst s10  }
0x38: {  	s10 =	sld [smem:$0x3FBA]  }
0x39: {  	_ = 	snop;
	(pc) =	sbr.ind lr, $3  }
0x3a: {  	_ = 	snop  }
0x3b: {  	_ = 	snop  }
0x3c: {  	p2 =	seq.s32 s10, $0x1;
	s10 =	sld [smem:$0x3FB9]  }
0x3d: {  	_ =	shalt  }
0x3e: {  	_ =	shalt  }
0x3f: {  	_ =	shalt  }
0x40: {  	_ =	shalt  }
0x41: {  	_ =	shalt  }
0x42: {  	_ =	shalt  }
0x43: {  	_ =	shalt  }
0x44: {  	_ =	shalt  }
0x45: {  	_ =	shalt  }
0x46: {  	_ =	shalt  }
0x47: {  	_ =	shalt  }
0x48: {  	_ =	shalt  }
0x49: {  	_ =	shalt  }
0x4a: {  	_ =	shalt  }
0x4b: {  	_ =	shalt  }
0x4c: {  	_ =	shalt  }
0x4d: {  	_ =	shalt  }
0x4e: {  	_ =	shalt  }
0x4f: {  	_ =	shalt  }
0x50: {  	_ =	shalt  }
0x51: {  	_ =	shalt  }
0x52: {  	_ =	shalt  }
0x53: {  	_ =	shalt  }
0x54: {  	_ =	shalt  }
0x55: {  	_ =	shalt  }
0x56: {  	_ =	shalt  }
0x57: {  	_ =	shalt  }
0x58: {  	_ =	shalt  }
0x59: {  	_ =	shalt  }
0x5a: {  	_ =	shalt  }
0x5b: {  	_ =	shalt  }
0x5c: {  	_ =	shalt  }
0x5d: {  	_ =	shalt  }
0x5e: {  	_ =	shalt  }
0x5f: {  	_ =	shalt  }
0x60: {  	_ =	shalt  }
0x61: {  	_ =	shalt  }
0x62: {  	_ =	shalt  }
0x63: {  	_ =	shalt  }
0x64: {  	_ =	shalt  }
0x65: {  	_ =	shalt  }
0x66: {  	_ =	shalt  }
0x67: {  	_ =	shalt  }
0x68: {  	_ =	shalt  }
0x69: {  	_ =	shalt  }
0x6a: {  	_ =	shalt  }
0x6b: {  	_ =	shalt  }
0x6c: {  	_ =	shalt  }
0x6d: {  	_ =	shalt  }
0x6e: {  	_ =	shalt  }
0x6f: {  	_ =	shalt  }
0x70: {  	_ =	shalt  }
0x71: {  	_ =	shalt  }
0x72: {  	_ =	shalt  }
0x73: {  	_ =	shalt  }
0x74: {  	_ =	shalt  }
0x75: {  	_ =	shalt  }
0x76: {  	_ =	shalt  }
0x77: {  	_ =	shalt  }
0x78: {  	_ =	shalt  }
0x79: {  	_ =	shalt  }
0x7a: {  	_ =	shalt  }
0x7b: {  	_ =	shalt  }
0x7c: {  	_ =	shalt  }
0x7d: {  	_ =	shalt  }
0x7e: {  	_ =	shalt  }
0x7f: {  	_ =	shalt  }
0x80: {  	_ =	shalt  }
0x81: {  	_ =	shalt  }
0x82: {  	_ =	shalt  }
0x83: {  	_ =	shalt  }
0x84: {  	_ =	shalt  }
0x85: {  	_ =	shalt  }
0x86: {  	_ =	shalt  }
0x87: {  	_ =	shalt  }
.Lfunc_end0:
.L_simem_size_0:
called_computation_lowered:
.L_overlay_start_0:
0x88: {  	s2 =	sld [smem:$0x3FD9]  }
0x89: {  	s3 =	sld [smem:$0x3FFE];
	_ =	sdelay $0x1  }
0x8a: {  	s1 =	srdreg.scid  }
0x8b: {  	s0 =	sand.u32 $0x1, s1  }
0x8c: {  	s17 =	sshll.u32 s0, $0xA;
	s2 =	sadd.s32 s3, s2  }
0x8d: {  	s2 =	sadd.s32 s2, s17  }
0x8e: {  	[smem:$0x3FC5] =	sst s2  }
0x8f: {  	_ = 	snop  }
0x90: {  	s2 =	sld [smem:$0x3FC7]  }
0x91: {  	s18 =	sld [smem:$0x3FD0];
	(tm) =	ssettm $0x1  }
0x92: {  	s4 =	sld [smem:$0x3FFB];
	_ =	sdelay $0x3  }
0x93: {  	_ =	strace s4  }
0x94: {  	s4 =	sld [smem:$0x3FFC];
	_ =	sdelay $0x3  }
0x95: {  	_ =	strace s4  }
0x96: {  	s4 =	sld [smem:$0x3FFD];
	_ =	sdelay $0x3  }
0x97: {  	_ =	strace s4  }
0x98: {  	_ =	strace $0x8FFFFFFF  }
0x99: {  	s19 =	sld [smem:$0x3FDB];
	_ =	sdelay $0x1  }
0x9a: {  	s5 =	simm.s32 $_scs_section_size  }
0x9b: {  	s6 =	simm.s32 $_size__tile_overlayer_lowered;
	s7 =	simm.s32 $_tile_overlayer_lowered  }
0x9c: {  	s22 =	simm.s32 $0x1BFF;
	s21 =	sshll.u32 s7, $0x1;
	s4 =	sadd.s32 s5, s19  }
0x9d: {  	s8 =	simm.s32 $0x0;
	s20 =	sshll.u32 s6, $0x1;
	s6 =	sadd.s32 s21, s4  }
0x9e: {  	[timem:s8], [sflag:s22] =	dma.local [hbm:s6], s20  }
0x9f: {  	_ =	swait.ge [sflag:s22], s20  }
0xa0: {  	s5 =	ssub.s32 $0x0, s20;
	[sflag:s22] =	ssyncset.done $0x0  }
0xa1: {  	[sflag:s22] =	ssyncadd.s32 s5;
	_ =	sdelay $0x1  }
0xa2: {  	s23 =	simm.s32 $0x1B8B  }
0xa3: {  	_ =	swait.ge [sflag:s23], $0x1  }
0xa4: {  	[sflag:s23] =	ssyncset.done $0x0  }
0xa5: {  	s25 =	simm.s32 $0x1B8E;
	s24 =	sld [smem:$0x3FFE];
	[sflag:s23] =	ssyncadd.s32 $0xFFFFFFFF  }
0xa6: {  	s26 =	simm.s32 $execute0_lowered;
	[smem:$0x3FD2] =	sst s25  }
0xa7: {  	s6 =	sshll.u32 s26, $0x1;
	_ =	strace $0x80000046;
	[dreg:$0x1] =	wrdreg $0xFFFFFFFF  }
0xa8: {  	s28 =	simm.s32 $_size_execute0_lowered;
	s4 =	sadd.s32 s4, s6;
	[dreg:$0x0] =	wrdreg $0x0  }
0xa9: {  	s6 =	sshll.u32 s28, $0x1;
	[dreg:$0x2] =	wrdreg s4  }
0xaa: {  	[dreg:$0x3] =	wrdreg s6  }
0xab: {  	[dreg:$0x4] =	wrdreg $0xC0  }
0xac: {  	_ =	task [dreg:s8], $0x5FFFF  }
0xad: {  	[dreg:$0x1] =	wrdreg $0xFFFFFFFF  }
0xae: {  	[dreg:$0x0] =	wrdreg $0x60  }
0xaf: {  	[dreg:$0x2] =	wrdreg s24  }
0xb0: {  	[dreg:$0x3] =	wrdreg s2  }
0xb1: {  	[dreg:$0x4] =	wrdreg s18  }
0xb2: {  	[dreg:$0x5] =	wrdreg $0x4A100  }
0xb3: {  	[dreg:$0x6] =	wrdreg $0x9  }
0xb4: {  	_ =	task.clear_ibuf [dreg:s8], $0x7FFFF;
	_ =	strace $0x90000046  }
0xb5: {  	s29 =	simm.s32 $0x9;
	_ =	strace $0x80000048  }
0xb6: {  	_ =	swait.ge [sflag:s29], $0x1  }
0xb7: {  	[sflag:s29] =	ssyncadd.s32 $0xFFFFFFFF  }
0xb8: {  	_ =	strace $0x90000048  }
0xb9: {  	_ =	sfence  }
0xba: {  	s30 =	sld [smem:$0x0];
	_ =	sdelay $0x2  }
0xbb: {  	s31 =	sshll.u32 s1, $0xD;
	s1 =	sshrl.u32 s1, $0x2  }
0xbc: {  	s3 =	sand.u32 $0x4000, s31;
	s1 =	sadd.s32 s1, s30  }
0xbd: {  	s0 =	sor.u32 s3, s0;
	s1 =	sshll.u32 s1, $0x11  }
0xbe: {  	s0 =	sor.u32 s1, s0  }
0xbf: {  	s0 =	sadd.s32 $0x8F2B, s0  }
0xc0: {  	[sflag:s0] =	ssyncadd.remote.s32 $0x1  }
0xc1: {  	_ =	sfence.sel $0xFFFF  }
0xc2: {  	[dreg:$0x0] =	wrdreg $0xFFFFFFFF;
	(pc) =	sbr.abs _section_cstart, $3  }
0xc3: {  	[dreg:$0x1] =	wrdreg $0xFFFFFFFF  }
0xc4: {  	_ =	task.clear_ibuf [dreg:s8], $0x2FFFF;
	_ =	strace $0x9FFFFFFF  }
0xc5: {  	(tm) =	ssettm $0x7FFFFFFF  }
tec
execute0_lowered:
.L_overlay_start_1:
0x0: {  	(tag) =	ssettag $0x1  }
0x1: {  	v0 =	vimm.s32 $0x1380  }
0x2: {  	vm14 =	vcmask $0x300;
	vm13 =	vcmask $0x704;
	vm12 =	vcmask $0xB08  }
0x3: {  	vm11 =	vcmask $0xF0C;
	vm10 =	vcmask $0x1310;
	vm9 =	vcmask $0x1714  }
0x4: {  	vm8 =	vcmask $0x1B18;
	vm7 =	vcmask $0x1F1C;
	vm6 =	vcmask $0x2320  }
0x5: {  	vm5 =	vcmask $0x2724;
	vm4 =	vcmask $0x2B28;
	vm3 =	vcmask $0x2F2C  }
0x6: {  	vm2 =	vcmask $0x3330;
	vm1 =	vcmask $0x3734;
	vm0 =	vcmask $0x3B38  }
0x7: {  	v1 =	vimm.s32 $0x1700;
	v2 =	vimm.s32 $0x1A80;
	v3 =	vimm.s32 $0x1E00  }
0x8: {  	v0 =	vsel vm14, $0x0, v0;
	v1 =	vsel vm14, $0x380, v1;
	v2 =	vsel vm14, $0x700, v2  }
0x9: {  	v3 =	vsel vm14, $0xA80, v3;
	v0 =	vsel vm13, $0x80, v0;
	v1 =	vsel vm13, $0x400, v1  }
0xa: {  	v2 =	vsel vm13, $0x780, v2;
	v3 =	vsel vm13, $0xB00, v3;
	v0 =	vsel vm12, $0x100, v0  }
0xb: {  	v1 =	vsel vm12, $0x480, v1;
	v2 =	vsel vm12, $0x800, v2;
	v3 =	vsel vm12, $0xB80, v3  }
0xc: {  	v0 =	vsel vm11, $0x180, v0;
	v1 =	vsel vm11, $0x500, v1;
	v2 =	vsel vm11, $0x880, v2  }
0xd: {  	v3 =	vsel vm11, $0xC00, v3;
	v0 =	vsel vm10, $0x200, v0;
	v1 =	vsel vm10, $0x580, v1  }
0xe: {  	s0 =	rddreg [dreg:$0x0];
	v2 =	vsel vm10, $0x900, v2;
	v3 =	vsel vm10, $0xC80, v3;
	v0 =	vsel vm9, $0x280, v0  }
0xf: {  	s1 =	rddreg [dreg:$0x2];
	s3 =	srdreg.scid;
	v1 =	vsel vm9, $0x600, v1;
	v2 =	vsel vm9, $0x980, v2;
	v3 =	vsel vm9, $0xD00, v3  }
0x10: {  	s7 =	stileid.u32;
	s2 =	rddreg [dreg:$0x3];
	v0 =	vsel vm8, $0x300, v0;
	v1 =	vsel vm8, $0x680, v1;
	v2 =	vsel vm8, $0xA00, v2  }
0x11: {  	s12 =	simm.s32 $0x1;
	s13 =	simm.s32 $0x2;
	s14 =	simm.s32 $0x80;
	v3 =	vsel vm8, $0xD80, v3;
	v0 =	vsel vm7, $0x380, v0;
	v1 =	vsel vm7, $0x700, v1  }
0x12: {  	s15 =	simm.s32 $0xA00;
	s16 =	simm.s32 $0x200;
	s20 =	simm.s32 $0x1200;
	v2 =	vsel vm7, $0xA80, v2;
	v3 =	vsel vm7, $0xE00, v3;
	v0 =	vsel vm6, $0x1000, v0  }
0x13: {  	s26 =	simm.s32 $0x1A00;
	s19 =	simm.s32 $0x2A00;
	s21 =	simm.s32 $0x3;
	v1 =	vsel vm6, $0x1380, v1;
	v2 =	vsel vm6, $0x1700, v2;
	v3 =	vsel vm6, $0x1A80, v3  }
0x14: {  	s22 =	simm.s32 $0x4;
	s23 =	simm.s32 $0x5;
	s24 =	simm.s32 $0x3A00;
	v0 =	vsel vm5, $0x1080, v0;
	v1 =	vsel vm5, $0x1400, v1;
	v2 =	vsel vm5, $0x1780, v2  }
0x15: {  	s25 =	simm.s32 $0x0;
	s4 =	sand.u32 $0x1, s3;
	s5 =	sshll.u32 s7, $0x1;
	v3 =	vsel vm5, $0x1B00, v3;
	v0 =	vsel vm4, $0x1100, v0;
	v1 =	vsel vm4, $0x1480, v1  }
0x16: {  	s3 =	simm.s32 $0x0;
	p0 =	sne.s32 s7, $0x0;
	s5 =	sor.u32 s4, s5;
	v2 =	vsel vm4, $0x1800, v2;
	v3 =	vsel vm4, $0x1B80, v3;
	v0 =	vsel vm3, $0x1180, v0  }
0x17: {  	[smem:$0x7FF] =	sst s3;
	s8 =	ssub.s32 $0x2, s4;
	s4 =	sadd.s32 $0x600, s0;
	v1 =	vsel vm3, $0x1500, v1;
	v2 =	vsel vm3, $0x1880, v2;
	v3 =	vsel vm3, $0x1C00, v3  }
0x18: {  	s6 =	sshll.u32 s5, $0x6;
	_ =	strace $0x80000047;
	s9 =	sshrl.u32 s8, $0x1;
	v0 =	vsel vm2, $0x1200, v0;
	v1 =	vsel vm2, $0x1580, v1;
	v2 =	vsel vm2, $0x1900, v2  }
0x19: {  	s31 =	sshll.u32 s5, $0x9;
	s6 =	sadd.s32 s6, s0;
	s30 =	ssub.s32 s8, s9;
	v3 =	vsel vm2, $0x1C80, v3;
	v0 =	vsel vm1, $0x1280, v0;
	v1 =	vsel vm1, $0x1600, v1  }
0x1a: {  	s9 =	sshrl.u32 @!p0 s2, $0x3;
	s5 =	sadd.s32 $0x2E00, s6;
	s6 =	sadd.s32 s1, s31;
	v2 =	vsel vm1, $0x1980, v2;
	v3 =	vsel vm1, $0x1D00, v3;
	v0 =	vsel vm0, $0x1300, v0  }
0x1b: {  	s0 =	simm.s32 $0x2200;
	s8 =	smax.u32 s30, $0x1;
	s7 =	sadd.s32 $0x4000, s6;
	v1 =	vsel vm0, $0x1680, v1;
	v2 =	vsel vm0, $0x1A00, v2;
	v3 =	vsel vm0, $0x1D80, v3  }
.LBB2_1:
0x1c: {  	s1 =	simm.s32 @!p0 $0x1C05  }
0x1d: {  	[spmem:s9], [sflag:s1] =	dma.local @!p0 [hbm:s4], $0x2710  }
0x1e: {  	s1 =	simm.s32 @!p0 $0x5  }
0x1f: {  	_ =	swait.ge @!p0 [sflag:s1], $0x2710  }
0x20: {  	[sflag:s1] =	ssyncset.done @!p0 $0x0  }
0x21: {  	[sflag:s1] =	ssyncadd.s32 @!p0 $0xFFFFD8F0  }
0x22: {  	s10 =	simm.s32 $0x4A00;
	s1 =	rddreg [dreg:$0x1]  }
0x23: {  	[tilespmem:s10], [sflag:$0x1] =	stream.linear.gather [hbm4b:s1+s3], $0x10, $0x38;
	[tilespmem:$0x5D98] =	vst v63  }
0x24: {  	s18 =	simm.s32 $0x4000  }
0x25: {  	[tilespmem:s3], [sflag:$0x2] =	stream.strided.gather [hbm4b:s5+s16], $0xA00, s18, s16, $0x38;
	[tilespmem:$0x5D98] =	vst v63  }
0x26: {  	_ =	swait.ge [sflag:s12], $0x10  }
0x27: {  	[sflag:s12] =	ssyncset.done $0x0  }
0x28: {  	[sflag:s12] =	ssyncadd.s32 $0xFFFFFFF0  }
0x29: {  	s10 =	simm.s32 $0x200;
	_ =	swait.ge [sflag:s13], $0xA00  }
0x2a: {  	s11 =	sand.u32 $0x1C0, s16;
	s1 =	sand.u32 $0x3FFFFE00, s10;
	[sflag:s13] =	ssyncset.done $0x0  }
0x2b: {  	s29 =	sor.u32 s11, s1;
	[sflag:s13] =	ssyncadd.s32 $0xFFFFF600  }
0x2c: {  	v7 =	vld [tilespmem:s29+$0x20]  }
0x2d: {  	v6 =	vld [tilespmem:s29+$0x10]  }
0x2e: {  	v8 =	vld [tilespmem:s29+$0x0]  }
0x2f: {  	s17 =	simm.s32 $0x1;
	s30 =	simm.s32 $0x240;
	s18 =	simm.s32 $0x240  }
0x30: {  	s28 =	sand.u32 $0x1C0, s30;
	s31 =	smul.u32 $0x3E8, s17;
	s10 =	sand.u32 $0x3FFFFE00, s18  }
0x31: {  	s28 =	sor.u32 s28, s10;
	v5 =	vld [tilespmem:s29+$0x30]  }
0x32: {  	v4 =	vld [tilespmem:s28+$0x20];
	v9 =	vadd.s32 s31, v6  }
0x33: {  	s1 =	simm.s32 $0x24;
	s10 =	simm.s32 $0x1;
	v6 =	vld [tilespmem:s28+$0x10];
	v8 =	vadd.s32 s31, v8;
	v7 =	vadd.s32 s31, v7;
	[tilespmem:s29+$0x10] =	vst v9  }
.LBB2_2:
0x34: {  	s1 =	sadd.s32 $0x4, s1  }
0x35: {  	v9 =	vld [tilespmem:s28+$0x0];
	s30 =	sadd.s32 $0x40, s30;
	[tilespmem:s29+$0x0] =	vst v8;
	p1 =	slt.u32 s1, $0x9C  }
.Ltmp0:
0x36: {  	v8 =	vadd.s32 s31, v5;
	s11 =	sshrl.u32 s1, $0x5;
	s17 =	sshll.u32 s1, $0x4;
	[tilespmem:s29+$0x20] =	vst v7;
	v5 =	vld [tilespmem:s28+$0x30];
	(pc) =	sbr.rel @p1 .LBB2_2-.Ltmp0, $4  }
0x37: {  	s31 =	smul.u32 $0x3E8, s10;
	s18 =	sand.u32 $0x1C0, s30;
	s17 =	sand.u32 $0x3FFFFE00, s17;
	[tilespmem:s29+$0x30] =	vst v8  }
0x38: {  	s10 =	smov.u32 s11;
	s17 =	sor.u32 s18, s17;
	v7 =	vmov v4  }
0x39: {  	s29 =	smov.u32 s28;
	v4 =	vld [tilespmem:s17+$0x20];
	v10 =	vadd.s32 s31, v6;
	s28 =	smov.u32 s17  }
0x3a: {  	v7 =	vadd.s32 s31, v7;
	v6 =	vld [tilespmem:s28+$0x10];
	v8 =	vadd.s32 s31, v9;
	[tilespmem:s29+$0x10] =	vst v10  }
0x3b: {  	v9 =	vld [tilespmem:s28+$0x0]  }
0x3c: {  	[tilespmem:s29+$0x0] =	vst v8;
	v63 =	vld [tilespmem:s28+$0x30];
	s1 =	smul.u32 $0x3E8, s10  }
0x3d: {  	[tilespmem:s29+$0x20] =	vst v7;
	v5 =	vadd.s32 s31, v5  }
0x3e: {  	[tilespmem:s29+$0x30] =	vst v5;
	v4 =	vadd.s32 s1, v4  }
0x3f: {  	v5 =	vadd.s32 s1, v6;
	[tilespmem:s28+$0x20] =	vst v4  }
0x40: {  	v6 =	vadd.s32 s1, v9;
	[tilespmem:s28+$0x10] =	vst v5  }
0x41: {  	v4 =	vadd.s32 s1, v63;
	[tilespmem:s28+$0x0] =	vst v6  }
0x42: {  	[tilespmem:s28+$0x30] =	vst v4  }
0x43: {  	v4 =	vld [tilespmem:$0x4A00];
	_ =	sdelay $0x3  }
0x44: {  	s1 =	simm.s32 $0xA40  }
0x45: {  	[tilespmem:s1+$0xFFFFFFC0] =	vst v4  }
0x46: {  	[tilespmem:s1+$0x30] =	vst v4  }
0x47: {  	[tilespmem:s1+$0x20] =	vst v4  }
0x48: {  	[tilespmem:s1+$0x10] =	vst v4  }
0x49: {  	[tilespmem:s1+$0x0] =	vst v4  }
0x4a: {  	[tilespmem:s1+$0xFFFFFFF0] =	vst v4  }
0x4b: {  	s10 =	simm.s32 $0x0;
	[tilespmem:s1+$0xFFFFFFE0] =	vst v4  }
.LBB2_4:
0x4c: {  	s10 =	sadd.s32 $0x8, s10;
	[tilespmem:s1+$0xFFFFFFD0] =	vst v4;
	s1 =	sadd.s32 $0x80, s1  }
0x4d: {  	[tilespmem:s1+$0xFFFFFFC0] =	vst v4;
	p1 =	slt.u32 s10, $0x1F8  }
0x4e: {  	[tilespmem:s1+$0x30] =	vst v4  }
.Ltmp1:
0x4f: {  	[tilespmem:s1+$0x20] =	vst v4;
	(pc) =	sbr.rel @p1 .LBB2_4-.Ltmp1, $4  }
0x50: {  	[tilespmem:s1+$0x10] =	vst v4  }
0x51: {  	[tilespmem:s1+$0x0] =	vst v4  }
0x52: {  	[tilespmem:s1+$0xFFFFFFF0] =	vst v4  }
0x53: {  	[tilespmem:s1+$0xFFFFFFE0] =	vst v4  }
0x54: {  	[tilespmem:s1+$0xFFFFFFD0] =	vst v4  }
0x55: {  	s30 =	simm.s32 $0x0;
	[bflag:$0x0] =	sbarrier.arrive $0xFFFF  }
0x56: {  	[tilespmem:s15], [sflag:$0x1] =	stream.indirect.gather.add.f32 [spmem:s2], $0x10, s30, s14, $0xb8;
	[tilespmem:$0x5D98] =	vst v63  }
0x57: {  	_ = 	snop  }
0x58: {  	[tilespmem:s15], [sflag:$0x1] =	stream.indirect.gather.add.f32 [spmem:s2], $0x10, s16, s14, $0xb8;
	[tilespmem:$0x5D98] =	vst v63  }
0x59: {  	s17 =	simm.s32 $0x400  }
0x5a: {  	[tilespmem:s15], [sflag:$0x1] =	stream.indirect.gather.add.f32 [spmem:s2], $0x10, s17, s14, $0xb8;
	[tilespmem:$0x5D98] =	vst v63  }
0x5b: {  	s18 =	simm.s32 $0x600  }
0x5c: {  	[tilespmem:s15], [sflag:$0x1] =	stream.indirect.gather.add.f32 [spmem:s2], $0x10, s18, s14, $0xb8;
	[tilespmem:$0x5D98] =	vst v63  }
0x5d: {  	s31 =	simm.s32 $0x800  }
0x5e: {  	[tilespmem:s15], [sflag:$0x1] =	stream.indirect.gather.add.f32 [spmem:s2], $0x10, s31, s14, $0xb8;
	[tilespmem:$0x5D98] =	vst v63  }
0x5f: {  	_ = 	snop  }
0x60: {  	[tilespmem:s20], [sflag:$0x2] =	stream.indirect.gather.add.f32 [spmem:s2], $0x10, s14, s14, $0xb8;
	[tilespmem:$0x5D98] =	vst v63  }
0x61: {  	s10 =	simm.s32 $0x280  }
0x62: {  	[tilespmem:s20], [sflag:$0x2] =	stream.indirect.gather.add.f32 [spmem:s2], $0x10, s10, s14, $0xb8;
	[tilespmem:$0x5D98] =	vst v63  }
0x63: {  	s11 =	simm.s32 $0x480  }
0x64: {  	[tilespmem:s20], [sflag:$0x2] =	stream.indirect.gather.add.f32 [spmem:s2], $0x10, s11, s14, $0xb8;
	[tilespmem:$0x5D98] =	vst v63  }
0x65: {  	s17 =	simm.s32 $0x680  }
0x66: {  	[tilespmem:s20], [sflag:$0x2] =	stream.indirect.gather.add.f32 [spmem:s2], $0x10, s17, s14, $0xb8;
	[tilespmem:$0x5D98] =	vst v63  }
0x67: {  	s18 =	simm.s32 $0x880  }
0x68: {  	[tilespmem:s20], [sflag:$0x2] =	stream.indirect.gather.add.f32 [spmem:s2], $0x10, s18, s14, $0xb8;
	[tilespmem:$0x5D98] =	vst v63  }
0x69: {  	s31 =	simm.s32 $0x100  }
0x6a: {  	[tilespmem:s26], [sflag:$0x3] =	stream.indirect.gather.add.f32 [spmem:s2], $0x10, s31, s14, $0xb8;
	[tilespmem:$0x5D98] =	vst v63  }
0x6b: {  	s10 =	simm.s32 $0x300  }
0x6c: {  	[tilespmem:s26], [sflag:$0x3] =	stream.indirect.gather.add.f32 [spmem:s2], $0x10, s10, s14, $0xb8;
	[tilespmem:$0x5D98] =	vst v63  }
0x6d: {  	s11 =	simm.s32 $0x500  }
0x6e: {  	[tilespmem:s26], [sflag:$0x3] =	stream.indirect.gather.add.f32 [spmem:s2], $0x10, s11, s14, $0xb8;
	[tilespmem:$0x5D98] =	vst v63  }
0x6f: {  	s17 =	simm.s32 $0x700  }
0x70: {  	[tilespmem:s26], [sflag:$0x3] =	stream.indirect.gather.add.f32 [spmem:s2], $0x10, s17, s14, $0xb8;
	[tilespmem:$0x5D98] =	vst v63  }
0x71: {  	s18 =	simm.s32 $0x900  }
0x72: {  	[tilespmem:s26], [sflag:$0x3] =	stream.indirect.gather.add.f32 [spmem:s2], $0x10, s18, s14, $0xb8;
	[tilespmem:$0x5D98] =	vst v63  }
0x73: {  	s31 =	simm.s32 $0x180  }
0x74: {  	[tilespmem:s0], [sflag:$0x4] =	stream.indirect.gather.add.f32 [spmem:s2], $0x10, s31, s14, $0xb8;
	[tilespmem:$0x5D98] =	vst v63  }
0x75: {  	s10 =	simm.s32 $0x380  }
0x76: {  	[tilespmem:s0], [sflag:$0x4] =	stream.indirect.gather.add.f32 [spmem:s2], $0x10, s10, s14, $0xb8;
	[tilespmem:$0x5D98] =	vst v63  }
0x77: {  	s11 =	simm.s32 $0x580  }
0x78: {  	[tilespmem:s0], [sflag:$0x4] =	stream.indirect.gather.add.f32 [spmem:s2], $0x10, s11, s14, $0xb8;
	[tilespmem:$0x5D98] =	vst v63  }
0x79: {  	s17 =	simm.s32 $0x780  }
0x7a: {  	[tilespmem:s0], [sflag:$0x4] =	stream.indirect.gather.add.f32 [spmem:s2], $0x10, s17, s14, $0xb8;
	[tilespmem:$0x5D98] =	vst v63  }
0x7b: {  	s18 =	simm.s32 $0x980  }
0x7c: {  	[tilespmem:s0], [sflag:$0x4] =	stream.indirect.gather.add.f32 [spmem:s2], $0x10, s18, s14, $0xb8;
	[tilespmem:$0x5D98] =	vst v63  }
0x7d: {  	_ =	swait.ge [sflag:s12], $0x800  }
0x7e: {  	[sflag:s12] =	ssyncset.done $0x0  }
0x7f: {  	[sflag:s12] =	ssyncadd.s32 $0xFFFFF800  }
0x80: {  	_ =	swait.ge [sflag:s12], $0x800  }
0x81: {  	[sflag:s12] =	ssyncset.done $0x0  }
0x82: {  	[sflag:s12] =	ssyncadd.s32 $0xFFFFF800  }
0x83: {  	_ =	swait.ge [sflag:s12], $0x800  }
0x84: {  	[sflag:s12] =	ssyncset.done $0x0  }
0x85: {  	[sflag:s12] =	ssyncadd.s32 $0xFFFFF800  }
0x86: {  	_ =	swait.ge [sflag:s12], $0x800  }
0x87: {  	[sflag:s12] =	ssyncset.done $0x0  }
0x88: {  	[sflag:s12] =	ssyncadd.s32 $0xFFFFF800  }
0x89: {  	_ =	swait.ge [sflag:s12], $0x800  }
0x8a: {  	[sflag:s12] =	ssyncset.done $0x0  }
0x8b: {  	s1 =	simm.s32 $0xA40;
	[sflag:s12] =	ssyncadd.s32 $0xFFFFF800  }
0x8c: {  	s10 =	simm.s32 $0x7;
	v5 =	vld [tilespmem:s1+$0x30]  }
0x8d: {  	v8 =	vor.u32 s10, v0;
	s11 =	simm.s32 $0x1;
	v6 =	vld [tilespmem:s1+$0xFFFFFFD0]  }
0x8e: {  	s31 =	simm.s32 $0x2;
	v9 =	vor.u32 s11, v0;
	v12 =	vld [tilespmem:s1+$0xFFFFFFE0]  }
0x8f: {  	v14 =	vor.u32 s31, v0;
	s11 =	simm.s32 $0x3;
	v15 =	vld [tilespmem:s1+$0xFFFFFFF0]  }
0x90: {  	v11 =	vor.u32 s11, v0;
	s17 =	simm.s32 $0x4;
	v7 =	vld [tilespmem:s1+$0x0]  }
0x91: {  	v13 =	vor.u32 s17, v0;
	s18 =	simm.s32 $0x5;
	v4 =	vld [tilespmem:s1+$0x10];
	v10 =	vmax.f32 v5, $0.0e+00  }
0x92: {  	s31 =	simm.s32 $0x6;
	v16 =	vmax.f32 v6, $0.0e+00;
	v5 =	vld [tilespmem:s1+$0x20];
	[tilespmem:v8+s19+$0x0] =	vst.idx.msk $0xffff, v10;
	v10 =	vor.u32 s18, v0  }
0x93: {  	s29 =	simm.s32 $0xAC0;
	v6 =	vld [tilespmem:s1+$0xFFFFFFC0];
	v63 =	vmax.f32 v12, $0.0e+00;
	v12 =	vor.u32 s31, v0;
	[tilespmem:v9+s19+$0x0] =	vst.idx.msk $0xffff, v16  }
0x94: {  	s28 =	simm.s32 $0x8;
	s1 =	simm.s32 $0xF;
	v8 =	vld [tilespmem:s29+$0x30];
	v9 =	vor.u32 s30, v0;
	s30 =	simm.s32 $0x10;
	[tilespmem:v14+s19+$0x0] =	vst.idx.msk $0xffff, v63;
	v14 =	vmax.f32 v15, $0.0e+00  }
.LBB2_6:
0x95: {  	p1 =	slt.u32 s30, $0x78;
	v15 =	vld [tilespmem:s29+$0xFFFFFFD0];
	s10 =	sadd.s32 $0x1, s28;
	v16 =	vor.u32 s1, v0;
	[tilespmem:v11+s19+$0x0] =	vst.idx.msk $0xffff, v14;
	v7 =	vmax.f32 v7, $0.0e+00  }
0x96: {  	s1 =	sadd.s32 $0x2, s28;
	v14 =	vor.u32 s10, v0;
	v17 =	vld [tilespmem:s29+$0xFFFFFFE0];
	[tilespmem:v13+s19+$0x0] =	vst.idx.msk $0xffff, v7;
	v4 =	vmax.f32 v4, $0.0e+00  }
0x97: {  	v18 =	vor.u32 s1, v0;
	s1 =	sadd.s32 $0x3, s28;
	v19 =	vld [tilespmem:s29+$0xFFFFFFF0];
	[tilespmem:v10+s19+$0x0] =	vst.idx.msk $0xffff, v4;
	v4 =	vmax.f32 v5, $0.0e+00  }
.Ltmp2:
0x98: {  	v11 =	vor.u32 s1, v0;
	s1 =	sadd.s32 $0x4, s28;
	v7 =	vld [tilespmem:s29+$0x0];
	v5 =	vmax.f32 v6, $0.0e+00;
	[tilespmem:v12+s19+$0x0] =	vst.idx.msk $0xffff, v4;
	(pc) =	sbr.rel @p1 .LBB2_6-.Ltmp2, $4  }
0x99: {  	v13 =	vor.u32 s1, v0;
	s1 =	sadd.s32 $0x5, s28;
	v4 =	vld [tilespmem:s29+$0x10];
	v6 =	vmax.f32 v8, $0.0e+00;
	[tilespmem:v9+s19+$0x0] =	vst.idx.msk $0xffff, v5  }
0x9a: {  	v10 =	vor.u32 s1, v0;
	s1 =	sadd.s32 $0x6, s28;
	v8 =	vmax.f32 v15, $0.0e+00;
	v5 =	vld [tilespmem:s29+$0x20];
	[tilespmem:v16+s19+$0x0] =	vst.idx.msk $0xffff, v6  }
0x9b: {  	v12 =	vor.u32 s1, v0;
	v6 =	vld [tilespmem:s29+$0xFFFFFFC0];
	[tilespmem:v14+s19+$0x0] =	vst.idx.msk $0xffff, v8;
	v14 =	vmax.f32 v17, $0.0e+00;
	s29 =	sadd.s32 $0x80, s29  }
0x9c: {  	v9 =	vor.u32 s28, v0;
	s28 =	smov.u32 s30;
	s1 =	sadd.s32 $0x7, s30;
	s30 =	sadd.s32 $0x8, s30;
	v8 =	vld [tilespmem:s29+$0x30];
	[tilespmem:v18+s19+$0x0] =	vst.idx.msk $0xffff, v14;
	v14 =	vmax.f32 v19, $0.0e+00  }
0x9d: {  	_ =	sdelay $0x3  }
0x9e: {  	v15 =	vld [tilespmem:s29+$0xFFFFFFD0];
	s10 =	sadd.s32 $0x1, s28;
	v16 =	vor.u32 s1, v0;
	[tilespmem:v11+s19+$0x0] =	vst.idx.msk $0xffff, v14;
	v7 =	vmax.f32 v7, $0.0e+00  }
0x9f: {  	v14 =	vld [tilespmem:s29+$0xFFFFFFE0];
	s17 =	sadd.s32 $0x2, s28;
	v11 =	vor.u32 s10, v0;
	[tilespmem:v13+s19+$0x0] =	vst.idx.msk $0xffff, v7;
	v4 =	vmax.f32 v4, $0.0e+00  }
0xa0: {  	s18 =	sadd.s32 $0x3, s28;
	v7 =	vor.u32 s17, v0;
	v13 =	vld [tilespmem:s29+$0xFFFFFFF0];
	[tilespmem:v10+s19+$0x0] =	vst.idx.msk $0xffff, v4;
	v4 =	vmax.f32 v5, $0.0e+00  }
0xa1: {  	s31 =	sadd.s32 $0x4, s28;
	v5 =	vor.u32 s18, v0;
	v10 =	vld [tilespmem:s29+$0x0];
	v6 =	vmax.f32 v6, $0.0e+00;
	[tilespmem:v12+s19+$0x0] =	vst.idx.msk $0xffff, v4  }
0xa2: {  	s10 =	sadd.s32 $0x5, s28;
	v4 =	vor.u32 s31, v0;
	v12 =	vld [tilespmem:s29+$0x10];
	v8 =	vmax.f32 v8, $0.0e+00;
	[tilespmem:v9+s19+$0x0] =	vst.idx.msk $0xffff, v6  }
0xa3: {  	s11 =	sadd.s32 $0x6, s28;
	v9 =	vor.u32 s10, v0;
	v6 =	vmax.f32 v15, $0.0e+00;
	v15 =	vld [tilespmem:s29+$0x20];
	[tilespmem:v16+s19+$0x0] =	vst.idx.msk $0xffff, v8  }
0xa4: {  	v8 =	vld [tilespmem:s29+$0xFFFFFFC0];
	[tilespmem:v11+s19+$0x0] =	vst.idx.msk $0xffff, v6;
	v6 =	vmax.f32 v14, $0.0e+00;
	v11 =	vor.u32 s11, v0  }
0xa5: {  	v14 =	vor.u32 s28, v0;
	[tilespmem:v7+s19+$0x0] =	vst.idx.msk $0xffff, v6;
	v6 =	vmax.f32 v13, $0.0e+00  }
0xa6: {  	[tilespmem:v5+s19+$0x0] =	vst.idx.msk $0xffff, v6;
	v5 =	vmax.f32 v10, $0.0e+00  }
0xa7: {  	[tilespmem:v4+s19+$0x0] =	vst.idx.msk $0xffff, v5;
	v4 =	vmax.f32 v12, $0.0e+00  }
0xa8: {  	[tilespmem:v9+s19+$0x0] =	vst.idx.msk $0xffff, v4;
	v4 =	vmax.f32 v15, $0.0e+00  }
0xa9: {  	v5 =	vmax.f32 v8, $0.0e+00;
	[tilespmem:v11+s19+$0x0] =	vst.idx.msk $0xffff, v4  }
0xaa: {  	[tilespmem:v14+s19+$0x0] =	vst.idx.msk $0xffff, v5  }
0xab: {  	_ =	swait.ge [sflag:s13], $0x800  }
0xac: {  	[sflag:s13] =	ssyncset.done $0x0  }
0xad: {  	[sflag:s13] =	ssyncadd.s32 $0xFFFFF800  }
0xae: {  	_ =	swait.ge [sflag:s13], $0x800  }
0xaf: {  	[sflag:s13] =	ssyncset.done $0x0  }
0xb0: {  	[sflag:s13] =	ssyncadd.s32 $0xFFFFF800  }
0xb1: {  	_ =	swait.ge [sflag:s13], $0x800  }
0xb2: {  	[sflag:s13] =	ssyncset.done $0x0  }
0xb3: {  	[sflag:s13] =	ssyncadd.s32 $0xFFFFF800  }
0xb4: {  	_ =	swait.ge [sflag:s13], $0x800  }
0xb5: {  	[sflag:s13] =	ssyncset.done $0x0  }
0xb6: {  	[sflag:s13] =	ssyncadd.s32 $0xFFFFF800  }
0xb7: {  	_ =	swait.ge [sflag:s13], $0x800  }
0xb8: {  	[sflag:s13] =	ssyncset.done $0x0  }
0xb9: {  	s1 =	simm.s32 $0x1270;
	[sflag:s13] =	ssyncadd.s32 $0xFFFFF800  }
0xba: {  	s17 =	simm.s32 $0x87;
	v5 =	vld [tilespmem:s1+$0x0]  }
0xbb: {  	s11 =	simm.s32 $0x81;
	v8 =	vadd.s32 s17, v1;
	v7 =	vld [tilespmem:s1+$0xFFFFFFA0]  }
0xbc: {  	s18 =	simm.s32 $0x82;
	v10 =	vadd.s32 s11, v1;
	v12 =	vld [tilespmem:s1+$0xFFFFFFB0]  }
0xbd: {  	s31 =	simm.s32 $0x83;
	v14 =	vadd.s32 s18, v1;
	v15 =	vld [tilespmem:s1+$0xFFFFFFC0]  }
0xbe: {  	s11 =	simm.s32 $0x84;
	v11 =	vadd.s32 s31, v1;
	v6 =	vld [tilespmem:s1+$0xFFFFFFD0]  }
0xbf: {  	v13 =	vadd.s32 s11, v1;
	s18 =	simm.s32 $0x85;
	v4 =	vld [tilespmem:s1+$0xFFFFFFE0];
	v9 =	vmax.f32 v5, $0.0e+00  }
0xc0: {  	s31 =	simm.s32 $0x86;
	v62 =	vmax.f32 v7, $0.0e+00;
	v5 =	vld [tilespmem:s1+$0xFFFFFFF0];
	[tilespmem:v8+s19+$0x0] =	vst.idx.msk $0xffff, v9;
	v9 =	vadd.s32 s18, v1  }
0xc1: {  	s29 =	simm.s32 $0x12F0;
	s17 =	simm.s32 $0x80;
	v7 =	vld [tilespmem:s1+$0xFFFFFF90];
	v63 =	vmax.f32 v12, $0.0e+00;
	v12 =	vadd.s32 s31, v1;
	[tilespmem:v10+s19+$0x0] =	vst.idx.msk $0xffff, v62  }
0xc2: {  	s30 =	simm.s32 $0x90;
	s28 =	simm.s32 $0x88;
	s1 =	simm.s32 $0x8F;
	v8 =	vld [tilespmem:s29+$0x0];
	v10 =	vadd.s32 s17, v1;
	[tilespmem:v14+s19+$0x0] =	vst.idx.msk $0xffff, v63;
	v14 =	vmax.f32 v15, $0.0e+00  }
.LBB2_8:
0xc3: {  	p1 =	slt.u32 s30, $0xF8;
	v15 =	vld [tilespmem:s29+$0xFFFFFFA0];
	s10 =	sadd.s32 $0x1, s28;
	v16 =	vadd.s32 s1, v1;
	[tilespmem:v11+s19+$0x0] =	vst.idx.msk $0xffff, v14;
	v6 =	vmax.f32 v6, $0.0e+00  }
0xc4: {  	s1 =	sadd.s32 $0x2, s28;
	v14 =	vadd.s32 s10, v1;
	v17 =	vld [tilespmem:s29+$0xFFFFFFB0];
	[tilespmem:v13+s19+$0x0] =	vst.idx.msk $0xffff, v6;
	v4 =	vmax.f32 v4, $0.0e+00  }
0xc5: {  	v18 =	vadd.s32 s1, v1;
	s1 =	sadd.s32 $0x3, s28;
	v19 =	vld [tilespmem:s29+$0xFFFFFFC0];
	[tilespmem:v9+s19+$0x0] =	vst.idx.msk $0xffff, v4;
	v4 =	vmax.f32 v5, $0.0e+00  }
.Ltmp3:
0xc6: {  	v11 =	vadd.s32 s1, v1;
	s1 =	sadd.s32 $0x4, s28;
	v6 =	vld [tilespmem:s29+$0xFFFFFFD0];
	v5 =	vmax.f32 v7, $0.0e+00;
	[tilespmem:v12+s19+$0x0] =	vst.idx.msk $0xffff, v4;
	(pc) =	sbr.rel @p1 .LBB2_8-.Ltmp3, $4  }
0xc7: {  	v13 =	vadd.s32 s1, v1;
	s1 =	sadd.s32 $0x5, s28;
	v4 =	vld [tilespmem:s29+$0xFFFFFFE0];
	v7 =	vmax.f32 v8, $0.0e+00;
	[tilespmem:v10+s19+$0x0] =	vst.idx.msk $0xffff, v5  }
0xc8: {  	v9 =	vadd.s32 s1, v1;
	s1 =	sadd.s32 $0x6, s28;
	v8 =	vmax.f32 v15, $0.0e+00;
	v5 =	vld [tilespmem:s29+$0xFFFFFFF0];
	[tilespmem:v16+s19+$0x0] =	vst.idx.msk $0xffff, v7  }
0xc9: {  	v12 =	vadd.s32 s1, v1;
	v7 =	vld [tilespmem:s29+$0xFFFFFF90];
	[tilespmem:v14+s19+$0x0] =	vst.idx.msk $0xffff, v8;
	v14 =	vmax.f32 v17, $0.0e+00;
	s29 =	sadd.s32 $0x80, s29  }
0xca: {  	v10 =	vadd.s32 s28, v1;
	s28 =	smov.u32 s30;
	s1 =	sadd.s32 $0x7, s30;
	s30 =	sadd.s32 $0x8, s30;
	v8 =	vld [tilespmem:s29+$0x0];
	[tilespmem:v18+s19+$0x0] =	vst.idx.msk $0xffff, v14;
	v14 =	vmax.f32 v19, $0.0e+00  }
0xcb: {  	_ =	sdelay $0x3  }
0xcc: {  	v15 =	vld [tilespmem:s29+$0xFFFFFFA0];
	s10 =	sadd.s32 $0x1, s28;
	v16 =	vadd.s32 s1, v1;
	[tilespmem:v11+s19+$0x0] =	vst.idx.msk $0xffff, v14;
	v6 =	vmax.f32 v6, $0.0e+00  }
0xcd: {  	v14 =	vld [tilespmem:s29+$0xFFFFFFB0];
	s17 =	sadd.s32 $0x2, s28;
	v11 =	vadd.s32 s10, v1;
	[tilespmem:v13+s19+$0x0] =	vst.idx.msk $0xffff, v6;
	v4 =	vmax.f32 v4, $0.0e+00  }
0xce: {  	s18 =	sadd.s32 $0x3, s28;
	v6 =	vadd.s32 s17, v1;
	v13 =	vld [tilespmem:s29+$0xFFFFFFC0];
	[tilespmem:v9+s19+$0x0] =	vst.idx.msk $0xffff, v4;
	v4 =	vmax.f32 v5, $0.0e+00  }
0xcf: {  	s31 =	sadd.s32 $0x4, s28;
	v5 =	vadd.s32 s18, v1;
	v9 =	vld [tilespmem:s29+$0xFFFFFFD0];
	v7 =	vmax.f32 v7, $0.0e+00;
	[tilespmem:v12+s19+$0x0] =	vst.idx.msk $0xffff, v4  }
0xd0: {  	s10 =	sadd.s32 $0x5, s28;
	v4 =	vadd.s32 s31, v1;
	v12 =	vld [tilespmem:s29+$0xFFFFFFE0];
	v8 =	vmax.f32 v8, $0.0e+00;
	[tilespmem:v10+s19+$0x0] =	vst.idx.msk $0xffff, v7  }
0xd1: {  	s11 =	sadd.s32 $0x6, s28;
	v10 =	vadd.s32 s10, v1;
	v7 =	vmax.f32 v15, $0.0e+00;
	v15 =	vld [tilespmem:s29+$0xFFFFFFF0];
	[tilespmem:v16+s19+$0x0] =	vst.idx.msk $0xffff, v8  }
0xd2: {  	v8 =	vld [tilespmem:s29+$0xFFFFFF90];
	[tilespmem:v11+s19+$0x0] =	vst.idx.msk $0xffff, v7;
	v7 =	vmax.f32 v14, $0.0e+00;
	v11 =	vadd.s32 s11, v1  }
0xd3: {  	v14 =	vadd.s32 s28, v1;
	[tilespmem:v6+s19+$0x0] =	vst.idx.msk $0xffff, v7;
	v6 =	vmax.f32 v13, $0.0e+00  }
0xd4: {  	[tilespmem:v5+s19+$0x0] =	vst.idx.msk $0xffff, v6;
	v5 =	vmax.f32 v9, $0.0e+00  }
0xd5: {  	[tilespmem:v4+s19+$0x0] =	vst.idx.msk $0xffff, v5;
	v4 =	vmax.f32 v12, $0.0e+00  }
0xd6: {  	[tilespmem:v10+s19+$0x0] =	vst.idx.msk $0xffff, v4;
	v4 =	vmax.f32 v15, $0.0e+00  }
0xd7: {  	v5 =	vmax.f32 v8, $0.0e+00;
	[tilespmem:v11+s19+$0x0] =	vst.idx.msk $0xffff, v4  }
0xd8: {  	[tilespmem:v14+s19+$0x0] =	vst.idx.msk $0xffff, v5  }
0xd9: {  	_ =	swait.ge [sflag:s21], $0x800  }
0xda: {  	[sflag:s21] =	ssyncset.done $0x0  }
0xdb: {  	[sflag:s21] =	ssyncadd.s32 $0xFFFFF800  }
0xdc: {  	_ =	swait.ge [sflag:s21], $0x800  }
0xdd: {  	[sflag:s21] =	ssyncset.done $0x0  }
0xde: {  	[sflag:s21] =	ssyncadd.s32 $0xFFFFF800  }
0xdf: {  	_ =	swait.ge [sflag:s21], $0x800  }
0xe0: {  	[sflag:s21] =	ssyncset.done $0x0  }
0xe1: {  	[sflag:s21] =	ssyncadd.s32 $0xFFFFF800  }
0xe2: {  	_ =	swait.ge [sflag:s21], $0x800  }
0xe3: {  	[sflag:s21] =	ssyncset.done $0x0  }
0xe4: {  	[sflag:s21] =	ssyncadd.s32 $0xFFFFF800  }
0xe5: {  	_ =	swait.ge [sflag:s21], $0x800  }
0xe6: {  	[sflag:s21] =	ssyncset.done $0x0  }
0xe7: {  	s1 =	simm.s32 $0x1A70;
	[sflag:s21] =	ssyncadd.s32 $0xFFFFF800  }
0xe8: {  	s17 =	simm.s32 $0x107;
	v5 =	vld [tilespmem:s1+$0x0]  }
0xe9: {  	s11 =	simm.s32 $0x101;
	v8 =	vadd.s32 s17, v2;
	v7 =	vld [tilespmem:s1+$0xFFFFFFA0]  }
0xea: {  	s18 =	simm.s32 $0x102;
	v10 =	vadd.s32 s11, v2;
	v12 =	vld [tilespmem:s1+$0xFFFFFFB0]  }
0xeb: {  	s31 =	simm.s32 $0x103;
	v14 =	vadd.s32 s18, v2;
	v15 =	vld [tilespmem:s1+$0xFFFFFFC0]  }
0xec: {  	s11 =	simm.s32 $0x104;
	v11 =	vadd.s32 s31, v2;
	v6 =	vld [tilespmem:s1+$0xFFFFFFD0]  }
0xed: {  	s18 =	simm.s32 $0x105;
	v13 =	vadd.s32 s11, v2;
	v4 =	vld [tilespmem:s1+$0xFFFFFFE0];
	v9 =	vmax.f32 v5, $0.0e+00  }
0xee: {  	s31 =	simm.s32 $0x106;
	v62 =	vmax.f32 v7, $0.0e+00;
	v5 =	vld [tilespmem:s1+$0xFFFFFFF0];
	[tilespmem:v8+s19+$0x0] =	vst.idx.msk $0xffff, v9;
	v9 =	vadd.s32 s18, v2  }
0xef: {  	s29 =	simm.s32 $0x1AF0;
	s17 =	simm.s32 $0x100;
	v7 =	vld [tilespmem:s1+$0xFFFFFF90];
	v63 =	vmax.f32 v12, $0.0e+00;
	v12 =	vadd.s32 s31, v2;
	[tilespmem:v10+s19+$0x0] =	vst.idx.msk $0xffff, v62  }
0xf0: {  	s30 =	simm.s32 $0x110;
	s28 =	simm.s32 $0x108;
	s1 =	simm.s32 $0x10F;
	v8 =	vld [tilespmem:s29+$0x0];
	v10 =	vadd.s32 s17, v2;
	[tilespmem:v14+s19+$0x0] =	vst.idx.msk $0xffff, v63;
	v14 =	vmax.f32 v15, $0.0e+00  }
.LBB2_10:
0xf1: {  	p1 =	slt.u32 s30, $0x178;
	v15 =	vld [tilespmem:s29+$0xFFFFFFA0];
	s10 =	sadd.s32 $0x1, s28;
	v16 =	vadd.s32 s1, v2;
	[tilespmem:v11+s19+$0x0] =	vst.idx.msk $0xffff, v14;
	v6 =	vmax.f32 v6, $0.0e+00  }
0xf2: {  	s1 =	sadd.s32 $0x2, s28;
	v14 =	vadd.s32 s10, v2;
	v17 =	vld [tilespmem:s29+$0xFFFFFFB0];
	[tilespmem:v13+s19+$0x0] =	vst.idx.msk $0xffff, v6;
	v4 =	vmax.f32 v4, $0.0e+00  }
0xf3: {  	v18 =	vadd.s32 s1, v2;
	s1 =	sadd.s32 $0x3, s28;
	v19 =	vld [tilespmem:s29+$0xFFFFFFC0];
	[tilespmem:v9+s19+$0x0] =	vst.idx.msk $0xffff, v4;
	v4 =	vmax.f32 v5, $0.0e+00  }
.Ltmp4:
0xf4: {  	v11 =	vadd.s32 s1, v2;
	s1 =	sadd.s32 $0x4, s28;
	v6 =	vld [tilespmem:s29+$0xFFFFFFD0];
	v5 =	vmax.f32 v7, $0.0e+00;
	[tilespmem:v12+s19+$0x0] =	vst.idx.msk $0xffff, v4;
	(pc) =	sbr.rel @p1 .LBB2_10-.Ltmp4, $4  }
0xf5: {  	v13 =	vadd.s32 s1, v2;
	s1 =	sadd.s32 $0x5, s28;
	v4 =	vld [tilespmem:s29+$0xFFFFFFE0];
	v7 =	vmax.f32 v8, $0.0e+00;
	[tilespmem:v10+s19+$0x0] =	vst.idx.msk $0xffff, v5  }
0xf6: {  	v9 =	vadd.s32 s1, v2;
	s1 =	sadd.s32 $0x6, s28;
	v8 =	vmax.f32 v15, $0.0e+00;
	v5 =	vld [tilespmem:s29+$0xFFFFFFF0];
	[tilespmem:v16+s19+$0x0] =	vst.idx.msk $0xffff, v7  }
0xf7: {  	v12 =	vadd.s32 s1, v2;
	v7 =	vld [tilespmem:s29+$0xFFFFFF90];
	[tilespmem:v14+s19+$0x0] =	vst.idx.msk $0xffff, v8;
	v14 =	vmax.f32 v17, $0.0e+00;
	s29 =	sadd.s32 $0x80, s29  }
0xf8: {  	v10 =	vadd.s32 s28, v2;
	s28 =	smov.u32 s30;
	s1 =	sadd.s32 $0x7, s30;
	s30 =	sadd.s32 $0x8, s30;
	v8 =	vld [tilespmem:s29+$0x0];
	[tilespmem:v18+s19+$0x0] =	vst.idx.msk $0xffff, v14;
	v14 =	vmax.f32 v19, $0.0e+00  }
0xf9: {  	_ =	sdelay $0x3  }
0xfa: {  	v15 =	vld [tilespmem:s29+$0xFFFFFFA0];
	s10 =	sadd.s32 $0x1, s28;
	v16 =	vadd.s32 s1, v2;
	[tilespmem:v11+s19+$0x0] =	vst.idx.msk $0xffff, v14;
	v6 =	vmax.f32 v6, $0.0e+00  }
0xfb: {  	v14 =	vld [tilespmem:s29+$0xFFFFFFB0];
	s17 =	sadd.s32 $0x2, s28;
	v11 =	vadd.s32 s10, v2;
	[tilespmem:v13+s19+$0x0] =	vst.idx.msk $0xffff, v6;
	v4 =	vmax.f32 v4, $0.0e+00  }
0xfc: {  	s18 =	sadd.s32 $0x3, s28;
	v6 =	vadd.s32 s17, v2;
	v13 =	vld [tilespmem:s29+$0xFFFFFFC0];
	[tilespmem:v9+s19+$0x0] =	vst.idx.msk $0xffff, v4;
	v4 =	vmax.f32 v5, $0.0e+00  }
0xfd: {  	s31 =	sadd.s32 $0x4, s28;
	v5 =	vadd.s32 s18, v2;
	v9 =	vld [tilespmem:s29+$0xFFFFFFD0];
	v7 =	vmax.f32 v7, $0.0e+00;
	[tilespmem:v12+s19+$0x0] =	vst.idx.msk $0xffff, v4  }
0xfe: {  	s10 =	sadd.s32 $0x5, s28;
	v4 =	vadd.s32 s31, v2;
	v12 =	vld [tilespmem:s29+$0xFFFFFFE0];
	v8 =	vmax.f32 v8, $0.0e+00;
	[tilespmem:v10+s19+$0x0] =	vst.idx.msk $0xffff, v7  }
0xff: {  	s11 =	sadd.s32 $0x6, s28;
	v10 =	vadd.s32 s10, v2;
	v7 =	vmax.f32 v15, $0.0e+00;
	v15 =	vld [tilespmem:s29+$0xFFFFFFF0];
	[tilespmem:v16+s19+$0x0] =	vst.idx.msk $0xffff, v8  }
0x100: {  	v8 =	vld [tilespmem:s29+$0xFFFFFF90];
	[tilespmem:v11+s19+$0x0] =	vst.idx.msk $0xffff, v7;
	v7 =	vmax.f32 v14, $0.0e+00;
	v11 =	vadd.s32 s11, v2  }
0x101: {  	v14 =	vadd.s32 s28, v2;
	[tilespmem:v6+s19+$0x0] =	vst.idx.msk $0xffff, v7;
	v6 =	vmax.f32 v13, $0.0e+00  }
0x102: {  	[tilespmem:v5+s19+$0x0] =	vst.idx.msk $0xffff, v6;
	v5 =	vmax.f32 v9, $0.0e+00  }
0x103: {  	[tilespmem:v4+s19+$0x0] =	vst.idx.msk $0xffff, v5;
	v4 =	vmax.f32 v12, $0.0e+00  }
0x104: {  	[tilespmem:v10+s19+$0x0] =	vst.idx.msk $0xffff, v4;
	v4 =	vmax.f32 v15, $0.0e+00  }
0x105: {  	v5 =	vmax.f32 v8, $0.0e+00;
	[tilespmem:v11+s19+$0x0] =	vst.idx.msk $0xffff, v4  }
0x106: {  	[tilespmem:v14+s19+$0x0] =	vst.idx.msk $0xffff, v5  }
0x107: {  	_ =	swait.ge [sflag:s22], $0x800  }
0x108: {  	[sflag:s22] =	ssyncset.done $0x0  }
0x109: {  	[sflag:s22] =	ssyncadd.s32 $0xFFFFF800  }
0x10a: {  	_ =	swait.ge [sflag:s22], $0x800  }
0x10b: {  	[sflag:s22] =	ssyncset.done $0x0  }
0x10c: {  	[sflag:s22] =	ssyncadd.s32 $0xFFFFF800  }
0x10d: {  	_ =	swait.ge [sflag:s22], $0x800  }
0x10e: {  	[sflag:s22] =	ssyncset.done $0x0  }
0x10f: {  	[sflag:s22] =	ssyncadd.s32 $0xFFFFF800  }
0x110: {  	_ =	swait.ge [sflag:s22], $0x800  }
0x111: {  	[sflag:s22] =	ssyncset.done $0x0  }
0x112: {  	[sflag:s22] =	ssyncadd.s32 $0xFFFFF800  }
0x113: {  	_ =	swait.ge [sflag:s22], $0x800  }
0x114: {  	[sflag:s22] =	ssyncset.done $0x0  }
0x115: {  	s1 =	simm.s32 $0x2270;
	[sflag:s22] =	ssyncadd.s32 $0xFFFFF800  }
0x116: {  	s17 =	simm.s32 $0x187;
	v5 =	vld [tilespmem:s1+$0x0]  }
0x117: {  	s11 =	simm.s32 $0x181;
	v8 =	vadd.s32 s17, v3;
	v7 =	vld [tilespmem:s1+$0xFFFFFFA0]  }
0x118: {  	s18 =	simm.s32 $0x182;
	v10 =	vadd.s32 s11, v3;
	v12 =	vld [tilespmem:s1+$0xFFFFFFB0]  }
0x119: {  	s31 =	simm.s32 $0x183;
	v14 =	vadd.s32 s18, v3;
	v15 =	vld [tilespmem:s1+$0xFFFFFFC0]  }
0x11a: {  	s11 =	simm.s32 $0x184;
	v11 =	vadd.s32 s31, v3;
	v6 =	vld [tilespmem:s1+$0xFFFFFFD0]  }
0x11b: {  	s18 =	simm.s32 $0x185;
	v13 =	vadd.s32 s11, v3;
	v4 =	vld [tilespmem:s1+$0xFFFFFFE0];
	v9 =	vmax.f32 v5, $0.0e+00  }
0x11c: {  	s31 =	simm.s32 $0x186;
	v62 =	vmax.f32 v7, $0.0e+00;
	v5 =	vld [tilespmem:s1+$0xFFFFFFF0];
	[tilespmem:v8+s19+$0x0] =	vst.idx.msk $0xffff, v9;
	v9 =	vadd.s32 s18, v3  }
0x11d: {  	s29 =	simm.s32 $0x22F0;
	s17 =	simm.s32 $0x180;
	v7 =	vld [tilespmem:s1+$0xFFFFFF90];
	v63 =	vmax.f32 v12, $0.0e+00;
	v12 =	vadd.s32 s31, v3;
	[tilespmem:v10+s19+$0x0] =	vst.idx.msk $0xffff, v62  }
0x11e: {  	s30 =	simm.s32 $0x190;
	s28 =	simm.s32 $0x188;
	s1 =	simm.s32 $0x18F;
	v8 =	vld [tilespmem:s29+$0x0];
	v10 =	vadd.s32 s17, v3;
	[tilespmem:v14+s19+$0x0] =	vst.idx.msk $0xffff, v63;
	v14 =	vmax.f32 v15, $0.0e+00  }
.LBB2_12:
0x11f: {  	p1 =	slt.u32 s30, $0x1F8;
	v15 =	vld [tilespmem:s29+$0xFFFFFFA0];
	s10 =	sadd.s32 $0x1, s28;
	v16 =	vadd.s32 s1, v3;
	[tilespmem:v11+s19+$0x0] =	vst.idx.msk $0xffff, v14;
	v6 =	vmax.f32 v6, $0.0e+00  }
0x120: {  	s1 =	sadd.s32 $0x2, s28;
	v14 =	vadd.s32 s10, v3;
	v17 =	vld [tilespmem:s29+$0xFFFFFFB0];
	[tilespmem:v13+s19+$0x0] =	vst.idx.msk $0xffff, v6;
	v4 =	vmax.f32 v4, $0.0e+00  }
0x121: {  	v18 =	vadd.s32 s1, v3;
	s1 =	sadd.s32 $0x3, s28;
	v19 =	vld [tilespmem:s29+$0xFFFFFFC0];
	[tilespmem:v9+s19+$0x0] =	vst.idx.msk $0xffff, v4;
	v4 =	vmax.f32 v5, $0.0e+00  }
.Ltmp5:
0x122: {  	v11 =	vadd.s32 s1, v3;
	s1 =	sadd.s32 $0x4, s28;
	v6 =	vld [tilespmem:s29+$0xFFFFFFD0];
	v5 =	vmax.f32 v7, $0.0e+00;
	[tilespmem:v12+s19+$0x0] =	vst.idx.msk $0xffff, v4;
	(pc) =	sbr.rel @p1 .LBB2_12-.Ltmp5, $4  }
0x123: {  	v13 =	vadd.s32 s1, v3;
	s1 =	sadd.s32 $0x5, s28;
	v4 =	vld [tilespmem:s29+$0xFFFFFFE0];
	v7 =	vmax.f32 v8, $0.0e+00;
	[tilespmem:v10+s19+$0x0] =	vst.idx.msk $0xffff, v5  }
0x124: {  	v9 =	vadd.s32 s1, v3;
	s1 =	sadd.s32 $0x6, s28;
	v8 =	vmax.f32 v15, $0.0e+00;
	v5 =	vld [tilespmem:s29+$0xFFFFFFF0];
	[tilespmem:v16+s19+$0x0] =	vst.idx.msk $0xffff, v7  }
0x125: {  	v12 =	vadd.s32 s1, v3;
	v7 =	vld [tilespmem:s29+$0xFFFFFF90];
	[tilespmem:v14+s19+$0x0] =	vst.idx.msk $0xffff, v8;
	v14 =	vmax.f32 v17, $0.0e+00;
	s29 =	sadd.s32 $0x80, s29  }
0x126: {  	v10 =	vadd.s32 s28, v3;
	s28 =	smov.u32 s30;
	s1 =	sadd.s32 $0x7, s30;
	s30 =	sadd.s32 $0x8, s30;
	v8 =	vld [tilespmem:s29+$0x0];
	[tilespmem:v18+s19+$0x0] =	vst.idx.msk $0xffff, v14;
	v14 =	vmax.f32 v19, $0.0e+00  }
0x127: {  	_ =	sdelay $0x3  }
0x128: {  	v15 =	vld [tilespmem:s29+$0xFFFFFFA0];
	s10 =	sadd.s32 $0x1, s28;
	v16 =	vadd.s32 s1, v3;
	[tilespmem:v11+s19+$0x0] =	vst.idx.msk $0xffff, v14;
	v6 =	vmax.f32 v6, $0.0e+00  }
0x129: {  	v51 =	vld [tilespmem:s29+$0xFFFFFFB0];
	s11 =	sadd.s32 $0x2, s28;
	v50 =	vadd.s32 s10, v3;
	[tilespmem:v13+s19+$0x0] =	vst.idx.msk $0xffff, v6;
	v4 =	vmax.f32 v4, $0.0e+00  }
0x12a: {  	v53 =	vld [tilespmem:s29+$0xFFFFFFC0];
	s17 =	sadd.s32 $0x3, s28;
	v52 =	vadd.s32 s11, v3;
	[tilespmem:v9+s19+$0x0] =	vst.idx.msk $0xffff, v4;
	v4 =	vmax.f32 v5, $0.0e+00  }
0x12b: {  	v54 =	vld [tilespmem:s29+$0xFFFFFFD0];
	s18 =	sadd.s32 $0x4, s28;
	v5 =	vadd.s32 s17, v3;
	v7 =	vmax.f32 v7, $0.0e+00;
	[tilespmem:v12+s19+$0x0] =	vst.idx.msk $0xffff, v4  }
0x12c: {  	v55 =	vld [tilespmem:s29+$0xFFFFFFE0];
	s30 =	sadd.s32 $0x5, s28;
	v4 =	vadd.s32 s18, v3;
	v8 =	vmax.f32 v8, $0.0e+00;
	[tilespmem:v10+s19+$0x0] =	vst.idx.msk $0xffff, v7  }
0x12d: {  	v59 =	vld [tilespmem:s29+$0xFFFFFF90];
	v57 =	vadd.s32 s30, v3;
	v56 =	vmax.f32 v15, $0.0e+00;
	[tilespmem:v16+s19+$0x0] =	vst.idx.msk $0xffff, v8  }
0x12e: {  	v58 =	vld [tilespmem:s29+$0xFFFFFFF0];
	s31 =	sadd.s32 $0x6, s28;
	v62 =	vadd.s32 s28, v3;
	v60 =	vmax.f32 v51, $0.0e+00;
	[tilespmem:v50+s19+$0x0] =	vst.idx.msk $0xffff, v56  }
0x12f: {  	v61 =	vadd.s32 s31, v3;
	v63 =	vmax.f32 v53, $0.0e+00;
	[tilespmem:v52+s19+$0x0] =	vst.idx.msk $0xffff, v60  }
0x130: {  	[tilespmem:v5+s19+$0x0] =	vst.idx.msk $0xffff, v63;
	v5 =	vmax.f32 v54, $0.0e+00  }
0x131: {  	[tilespmem:v4+s19+$0x0] =	vst.idx.msk $0xffff, v5;
	v4 =	vmax.f32 v55, $0.0e+00  }
0x132: {  	v5 =	vmax.f32 v59, $0.0e+00;
	[tilespmem:v57+s19+$0x0] =	vst.idx.msk $0xffff, v4  }
0x133: {  	v4 =	vmax.f32 v58, $0.0e+00;
	[tilespmem:v62+s19+$0x0] =	vst.idx.msk $0xffff, v5  }
0x134: {  	[tilespmem:v61+s19+$0x0] =	vst.idx.msk $0xffff, v4  }
0x135: {  	[hbm4b:s6+s3] =	stream.linear.scatter [tilespmem:s19], [sflag:$0x5], $0x1000, $0x38;
	[tilespmem:$0x5D98] =	vst v63  }
0x136: {  	s25 =	sadd.s32 $0x1, s25;
	_ =	swait.ge [sflag:s23], $0x1000  }
0x137: {  	p1 =	sne.s32 s25, s8;
	[sflag:s23] =	ssyncset.done $0x0  }
.Ltmp6:
0x138: {  	[sflag:s23] =	ssyncadd.s32 $0xFFFFF000;
	(pc) =	sbr.rel @p1 .LBB2_1-.Ltmp6, $4  }
0x139: {  	[hbm4b:s7+s3] =	stream.linear.scatter [tilespmem:s24], [sflag:$0x5], $0x1000, $0x38;
	[tilespmem:$0x5D98] =	vst v63  }
0x13a: {  	_ =	swait.ge [sflag:s23], $0x1000  }
0x13b: {  	[sflag:s23] =	ssyncset.done $0x0  }
0x13c: {  	[sflag:s23] =	ssyncadd.s32 $0xFFFFF000  }
0x13d: {  	_ =	sfence.sel $0x180000  }
0x13e: {  	[bflag:$0x0] =	sbarrier.arrive $0xFFFF  }
0x13f: {  	_ =	strace $0x90000047  }
0x140: {  	[bflag:$0x2] =	sbarrier.arrive $0xFFFF  }
0x141: {  	s0 =	rddreg [dreg:$0x4]  }
0x142: {  	s0 =	sadd.s32 @!p0 $0x100000, s0  }
0x143: {  	[sflag:s0] =	ssyncadd.tile.s32 @!p0 $0x1;
	_ =	shalt  }
.Lfunc_end2:
_tile_overlayer_lowered:
.L_overlay_start_2:
0x144: {  	(tag) =	ssettag $0x2  }
0x145: {  	s0 =	rddreg [dreg:$0x0];
	s2 =	stileid.u32  }
0x146: {  	s1 =	rddreg [dreg:$0x1];
	p0 =	sne.s32 s2, $0x0  }
0x147: {  	s3 =	rddreg [dreg:$0x2];
	[bflag:$0x3] =	sbarrier.arrive $0xFFFF;
	s2 =	simm.s32 @!p0 $0x1C05  }
0x148: {  	[timem:s3], [sflag:s2] =	dma.local @!p0 [hbm:s0], s1  }
0x149: {  	s0 =	simm.s32 @!p0 $0x5  }
0x14a: {  	_ =	swait.ge @!p0 [sflag:s0], s1  }
0x14b: {  	s1 =	ssub.s32 @!p0 $0x0, s1;
	[sflag:s0] =	ssyncset.done @!p0 $0x0  }
0x14c: {  	[sflag:s0] =	ssyncadd.s32 @!p0 s1  }
0x14d: {  	[bflag:$0x3] =	sbarrier.arrive $0xFFFF  }
0x14e: {  	_ =	shalt  }

</sc_bundles>
